<compile_context>
chip_gen: v7x
topology: tpu7x:2x2x1
jax: 0.10.2.dev20260603
libtpu: 0.0.44.dev20260713+nightly
codegen_flags: <defaults>
</compile_context>

<pallas_src>
import functools

import jax
import jax.numpy as jnp
from jax import lax
from jax.experimental import pallas as pl
from jax.experimental.pallas import tpu as pltpu
from jax.experimental.pallas import tpu_sc as plsc

DIM = 32
B = 16384
NC = 2
NS = 16
NW = NC * NS
BPW = B // NW

_sc_mesh = plsc.VectorSubcoreMesh(core_axis_name="c", subcore_axis_name="s")


@functools.partial(
    pl.kernel,
    out_type=[jax.ShapeDtypeStruct((B, DIM), jnp.float32)] * 4,
    mesh=_sc_mesh,
    scratch_types=[
        pltpu.VMEM((BPW,), jnp.int32),
        pltpu.SemaphoreType.DMA,
    ],
)
def _sc_gather4(idx_all, ut, it, st, gt, ue_o, ie_o, se_o, ge_o,
                idx_v, sem):
    wid = lax.axis_index("s") * NC + lax.axis_index("c")
    base = wid * BPW
    outs = (ue_o, ie_o, se_o, ge_o)
    for t, tab in enumerate((ut, it, st, gt)):
        pltpu.sync_copy(idx_all.at[t, wid], idx_v)
        o = outs[t]

        def body(g, _, tab=tab, o=o):
            vec = idx_v[pl.ds(g * 16, 16)]
            for j in range(16):
                pltpu.async_copy(tab.at[pl.ds(vec[j], 1)],
                                 o.at[pl.ds(base + g * 16 + j, 1)], sem)
            return 0

        lax.fori_loop(0, BPW // 16, body, 0)
    for o in outs:
        pltpu.make_async_copy(o.at[pl.ds(0, BPW)],
                              o.at[pl.ds(base, BPW)], sem).wait()


TB = 2048


def _mlp_body(ue, ie, se, ge, w1u, w1i, w1s, w1g, b1, w2, b2, w3, b3, w4, b4,
              wo, bo, out):
    h = (jnp.dot(ue[...], w1u[...], preferred_element_type=jnp.float32)
         + jnp.dot(ie[...], w1i[...], preferred_element_type=jnp.float32)
         + jnp.dot(se[...], w1s[...], preferred_element_type=jnp.float32)
         + jnp.dot(ge[...], w1g[...], preferred_element_type=jnp.float32)
         + b1[...])
    h = jnp.maximum(h, 0.0)
    h = jnp.maximum(jnp.dot(h, w2[...], preferred_element_type=jnp.float32)
                    + b2[...], 0.0)
    h = jnp.maximum(jnp.dot(h, w3[...], preferred_element_type=jnp.float32)
                    + b3[...], 0.0)
    h = jnp.maximum(jnp.dot(h, w4[...], preferred_element_type=jnp.float32)
                    + b4[...], 0.0)
    out[...] = jnp.dot(h, wo[...], preferred_element_type=jnp.float32) + bo[...]


def _mlp(ue, ie, se, ge, W1, b1, W2, b2, W3, b3, W4, b4, Wo, bo):
    w1t = W1.T
    full = lambda shape: pl.BlockSpec(shape, lambda i: (0, 0))
    emb = pl.BlockSpec((TB, DIM), lambda i: (i, 0))
    return pl.pallas_call(
        _mlp_body,
        grid=(B // TB,),
        in_specs=[emb, emb, emb, emb,
                  full((DIM, 64)), full((DIM, 64)), full((DIM, 64)),
                  full((DIM, 64)), full((1, 64)),
                  full((64, 32)), full((1, 32)),
                  full((32, 16)), full((1, 16)),
                  full((16, 8)), full((1, 8)),
                  full((8, 1)), full((1, 1))],
        out_specs=pl.BlockSpec((TB, 1), lambda i: (i, 0)),
        out_shape=jax.ShapeDtypeStruct((B, 1), jnp.float32),
        compiler_params=pltpu.CompilerParams(
            dimension_semantics=("arbitrary",)),
    )(ue, ie, se, ge,
      w1t[0:DIM], w1t[DIM:2 * DIM], w1t[2 * DIM:3 * DIM], w1t[3 * DIM:],
      b1.reshape(1, 64), W2.T, b2.reshape(1, 32), W3.T, b3.reshape(1, 16),
      W4.T, b4.reshape(1, 8), Wo.T, bo.reshape(1, 1))


def kernel(user_indices, item_indices, social_indices, giver_indices,
           user_table, item_table, social_table, giver_table,
           W1, b1, W2, b2, W3, b3, W4, b4, Wo, bo):
    nrow = user_table.shape[0] - 1
    idx_all = jnp.stack([
        jnp.clip(user_indices, 0, nrow),
        jnp.clip(item_indices, 0, nrow),
        jnp.clip(social_indices, 0, nrow),
        jnp.clip(giver_indices, 0, nrow),
    ]).reshape(4, NW, BPW)
    ue, ie, se, ge = _sc_gather4(idx_all, user_table, item_table,
                                 social_table, giver_table)
    pred = _mlp(ue, ie, se, ge, W1, b1, W2, b2, W3, b3, W4, b4, Wo, bo)
    return pred.reshape(-1)

# --- scband reference (transcript-rebuilt; emitter-appended) ---
"""Pipeline reference for scband-ncf-14585708937371 (READ-ONLY COPY).

The authoritative reference and input builder live on the scoring server;
editing this copy changes nothing except your own understanding.
"""

import jax, jax.numpy as jnp
import numpy as np

NUM_USERS = 1000000
NUM_ITEMS = 1000000
DIM = 32
B = 16384
HIDDEN = [64, 32, 16, 8]


def setup_inputs(seed: int = 0) -> dict:
    key = jax.random.key(seed)
    ks = jax.random.split(key, 20)
    user_indices = jax.random.randint(ks[0], (B,), 0, NUM_USERS, dtype=jnp.int32)
    item_indices = jax.random.randint(ks[1], (B,), 0, NUM_ITEMS, dtype=jnp.int32)
    social_indices = jax.random.randint(ks[2], (B,), 0, NUM_USERS, dtype=jnp.int32)
    giver_indices = jax.random.randint(ks[3], (B,), 0, NUM_USERS, dtype=jnp.int32)
    user_table = jax.random.normal(ks[4], (NUM_USERS + 1, DIM), jnp.float32) * 0.02
    user_table = user_table.at[NUM_USERS].set(0.0)
    item_table = jax.random.normal(ks[5], (NUM_ITEMS + 1, DIM), jnp.float32) * 0.02
    item_table = item_table.at[NUM_ITEMS].set(0.0)
    social_table = jax.random.normal(ks[6], (NUM_USERS + 1, DIM), jnp.float32) * 0.02
    social_table = social_table.at[NUM_USERS].set(0.0)
    giver_table = jax.random.normal(ks[7], (NUM_USERS + 1, DIM), jnp.float32) * 0.02
    giver_table = giver_table.at[NUM_USERS].set(0.0)
    in_size = DIM * 4
    weights = {}
    sizes = [in_size] + HIDDEN
    for i in range(len(HIDDEN)):
        weights[f'W{i+1}'] = jax.random.normal(ks[8 + 2 * i], (sizes[i + 1], sizes[i]), jnp.float32) * (1.0 / np.sqrt(sizes[i]))
        weights[f'b{i+1}'] = jnp.zeros((sizes[i + 1],), jnp.float32)
    Wo = jax.random.normal(ks[16], (1, HIDDEN[-1]), jnp.float32) * (1.0 / np.sqrt(HIDDEN[-1]))
    bo = jnp.zeros((1,), jnp.float32)
    return {
        'user_indices': user_indices, 'item_indices': item_indices,
        'social_indices': social_indices, 'giver_indices': giver_indices,
        'user_table': user_table, 'item_table': item_table,
        'social_table': social_table, 'giver_table': giver_table,
        'W1': weights['W1'], 'b1': weights['b1'],
        'W2': weights['W2'], 'b2': weights['b2'],
        'W3': weights['W3'], 'b3': weights['b3'],
        'W4': weights['W4'], 'b4': weights['b4'],
        'Wo': Wo, 'bo': bo,
    }


def reference(user_indices, item_indices, social_indices, giver_indices,
              user_table, item_table, social_table, giver_table,
              W1, b1, W2, b2, W3, b3, W4, b4, Wo, bo):
    ui = jnp.clip(user_indices, 0, user_table.shape[0] - 1)
    ii = jnp.clip(item_indices, 0, item_table.shape[0] - 1)
    si = jnp.clip(social_indices, 0, social_table.shape[0] - 1)
    gi = jnp.clip(giver_indices, 0, giver_table.shape[0] - 1)
    ue = jnp.take(user_table, ui, axis=0)
    ie = jnp.take(item_table, ii, axis=0)
    se = jnp.take(social_table, si, axis=0)
    ge = jnp.take(giver_table, gi, axis=0)
    v = jnp.concatenate([ue, ie, se, ge], axis=-1)
    h = jax.nn.relu(v @ W1.T + b1)
    h = jax.nn.relu(h @ W2.T + b2)
    h = jax.nn.relu(h @ W3.T + b3)
    h = jax.nn.relu(h @ W4.T + b4)
    pred = h @ Wo.T + bo
    return pred.reshape(-1)

if __name__ == "__main__":
    import jax
    _d = setup_inputs()
    print(jax.jit(kernel)(*tuple(_d.values())))

</pallas_src>

<mosaic_0001>
#map = affine_map<(d0, d1) -> (0, 0, 0)>
#map1 = affine_map<(d0, d1) -> (0, 0)>
module attributes {stable_mosaic.version = 14 : i64} {
  func.func @_sc_gather4(%arg0: i32, %arg1: i32, %arg2: memref<4x32x512xi32, #tpu.memory_space<hbm>>, %arg3: memref<1000001x32xf32, #tpu.memory_space<hbm>>, %arg4: memref<1000001x32xf32, #tpu.memory_space<hbm>>, %arg5: memref<1000001x32xf32, #tpu.memory_space<hbm>>, %arg6: memref<1000001x32xf32, #tpu.memory_space<hbm>>, %arg7: memref<16384x32xf32, #tpu.memory_space<hbm>>, %arg8: memref<16384x32xf32, #tpu.memory_space<hbm>>, %arg9: memref<16384x32xf32, #tpu.memory_space<hbm>>, %arg10: memref<16384x32xf32, #tpu.memory_space<hbm>>, %arg11: memref<512xi32, #tpu.memory_space<vmem>>, %arg12: memref<!tpu.dma_semaphore, #tpu.memory_space<semaphore_mem>>) attributes {dimension_semantics = [#tpu.dimension_semantics<core_parallel>, #tpu.dimension_semantics<subcore_parallel>], iteration_bounds = array<i64: 2, 16>, scalar_prefetch = 0 : i64, scratch_operands = 2 : i64, tpu.core_type = #tpu.core_type<sc_vector_subcore>, window_params = [{transform_indices = #map}, {transform_indices = #map1}, {transform_indices = #map1}, {transform_indices = #map1}, {transform_indices = #map1}, {transform_indices = #map1}, {transform_indices = #map1}, {transform_indices = #map1}, {transform_indices = #map1}]} {
    %mul3A = arith.constant 2 : i32
    %mul3A_0 = arith.muli %arg1, %mul3A : i32
    %add3A = arith.addi %mul3A_0, %arg0 : i32
    %mul3A_1 = arith.constant 512 : i32
    %mul3A_2 = arith.muli %add3A, %mul3A_1 : i32
    %run_scoped3A = arith.constant 0 : i32
    "tpu.region"() ({
      %run_scoped3A_52 = tpu.sem_alloc : memref<!tpu.dma_semaphore, #tpu.memory_space<semaphore_mem>>
      %dma_start3A = arith.constant 0 : i32
      %dma_start3A_53 = tpu.memref_slice %arg2[%run_scoped3A, %add3A, %dma_start3A] : memref<4x32x512xi32, #tpu.memory_space<hbm>> -> memref<1x1x512xi32, #tpu.memory_space<hbm>>
      %dma_start3A_54 = tpu.memref_squeeze %dma_start3A_53 : memref<1x1x512xi32, #tpu.memory_space<hbm>> -> memref<512xi32, #tpu.memory_space<hbm>>
      %dma_start3A_55 = arith.constant 0 : i32
      %dma_start3A_56 = tpu.memref_slice %arg2[%run_scoped3A, %add3A, %dma_start3A_55] : memref<4x32x512xi32, #tpu.memory_space<hbm>> -> memref<1x1x512xi32, #tpu.memory_space<hbm>>
      %dma_start3A_57 = tpu.memref_squeeze %dma_start3A_56 : memref<1x1x512xi32, #tpu.memory_space<hbm>> -> memref<512xi32, #tpu.memory_space<hbm>>
      tpu.enqueue_dma source(%dma_start3A_57 : memref<512xi32, #tpu.memory_space<hbm>>) target(%arg11 : memref<512xi32, #tpu.memory_space<vmem>>) target_semaphore(%run_scoped3A_52 : memref<!tpu.dma_semaphore, #tpu.memory_space<semaphore_mem>>)
      %dma_wait3A_58 = arith.constant 0 : i32
      %dma_wait3A_59 = tpu.memref_slice %arg2[%run_scoped3A, %add3A, %dma_wait3A_58] : memref<4x32x512xi32, #tpu.memory_space<hbm>> -> memref<1x1x512xi32, #tpu.memory_space<hbm>>
      %dma_wait3A_60 = tpu.memref_squeeze %dma_wait3A_59 : memref<1x1x512xi32, #tpu.memory_space<hbm>> -> memref<512xi32, #tpu.memory_space<hbm>>
      %dma_wait3A_61 = arith.constant 0 : i32
      %dma_wait3A_62 = tpu.memref_slice %arg2[%run_scoped3A, %add3A, %dma_wait3A_61] : memref<4x32x512xi32, #tpu.memory_space<hbm>> -> memref<1x1x512xi32, #tpu.memory_space<hbm>>
      %dma_wait3A_63 = tpu.memref_squeeze %dma_wait3A_62 : memref<1x1x512xi32, #tpu.memory_space<hbm>> -> memref<512xi32, #tpu.memory_space<hbm>>
      tpu.wait_dma2 semaphore(%run_scoped3A_52 : memref<!tpu.dma_semaphore, #tpu.memory_space<semaphore_mem>>) src(%dma_wait3A_63 : memref<512xi32, #tpu.memory_space<hbm>>) dst(%arg11 : memref<512xi32, #tpu.memory_space<vmem>>)
      tpu.yield
    }) : () -> ()
    %scan3A = arith.constant 0 : i32
    %scan3A_3 = arith.constant 0 : i32
    %scan3A_4 = arith.constant 32 : i32
    %scan3A_5 = arith.addi %scan3A_3, %scan3A_4 : i32
    %scan3A_6 = arith.constant 1 : i32
    %scan3A_7 = scf.for %scan3A_52 = %scan3A_3 to %scan3A_5 step %scan3A_6 iter_args(%scan3A_53 = %scan3A) -> (i32)  : i32 {
      %mul3A_54 = arith.constant 16 : i32
      %mul3A_55 = arith.muli %scan3A_52, %mul3A_54 : i32
      %get3A = arith.index_cast %mul3A_55 : i32 to index
      %get3A_56 = tpu.vector_load %arg11[%get3A] {strides = array<i32>} : memref<512xi32, #tpu.memory_space<vmem>>, vector<16xi32>,
      %get3A_57 = vector.shape_cast %get3A_56 : vector<16xi32> to vector<16xi32>
      %slice3A = vector.extract_strided_slice %get3A_57 {offsets = [0], sizes = [1], strides = [1]} : vector<16xi32> to vector<1xi32>
      %squeeze3A = vector.extract %slice3A[0] : i32 from vector<1xi32>
      %mul3A_58 = arith.constant 16 : i32
      %mul3A_59 = arith.muli %scan3A_52, %mul3A_58 : i32
      %add3A_60 = arith.addi %mul3A_2, %mul3A_59 : i32
      %add3A_61 = arith.constant 0 : i32
      %add3A_62 = arith.addi %add3A_60, %add3A_61 : i32
      %dma_start3A = arith.constant 0 : i32
      %dma_start3A_63 = tpu.memref_slice %arg7[%add3A_62, %dma_start3A] : memref<16384x32xf32, #tpu.memory_space<hbm>> -> memref<1x32xf32, #tpu.memory_space<hbm>>
      %dma_start3A_64 = arith.constant 0 : i32
      %dma_start3A_65 = tpu.memref_slice %arg3[%squeeze3A, %dma_start3A_64] : memref<1000001x32xf32, #tpu.memory_space<hbm>> -> memref<1x32xf32, #tpu.memory_space<hbm>>
      tpu.enqueue_dma source(%dma_start3A_65 : memref<1x32xf32, #tpu.memory_space<hbm>>) target(%dma_start3A_63 : memref<1x32xf32, #tpu.memory_space<hbm>>) target_semaphore(%arg12 : memref<!tpu.dma_semaphore, #tpu.memory_space<semaphore_mem>>)
      %slice3A_66 = vector.extract_strided_slice %get3A_57 {offsets = [1], sizes = [1], strides = [1]} : vector<16xi32> to vector<1xi32>
      %squeeze3A_67 = vector.extract %slice3A_66[0] : i32 from vector<1xi32>
      %mul3A_68 = arith.constant 16 : i32
      %mul3A_69 = arith.muli %scan3A_52, %mul3A_68 : i32
      %add3A_70 = arith.addi %mul3A_2, %mul3A_69 : i32
      %add3A_71 = arith.constant 1 : i32
      %add3A_72 = arith.addi %add3A_70, %add3A_71 : i32
      %dma_start3A_73 = arith.constant 0 : i32
      %dma_start3A_74 = tpu.memref_slice %arg7[%add3A_72, %dma_start3A_73] : memref<16384x32xf32, #tpu.memory_space<hbm>> -> memref<1x32xf32, #tpu.memory_space<hbm>>
      %dma_start3A_75 = arith.constant 0 : i32
      %dma_start3A_76 = tpu.memref_slice %arg3[%squeeze3A_67, %dma_start3A_75] : memref<1000001x32xf32, #tpu.memory_space<hbm>> -> memref<1x32xf32, #tpu.memory_space<hbm>>
      tpu.enqueue_dma source(%dma_start3A_76 : memref<1x32xf32, #tpu.memory_space<hbm>>) target(%dma_start3A_74 : memref<1x32xf32, #tpu.memory_space<hbm>>) target_semaphore(%arg12 : memref<!tpu.dma_semaphore, #tpu.memory_space<semaphore_mem>>)
      %slice3A_77 = vector.extract_strided_slice %get3A_57 {offsets = [2], sizes = [1], strides = [1]} : vector<16xi32> to vector<1xi32>
      %squeeze3A_78 = vector.extract %slice3A_77[0] : i32 from vector<1xi32>
      %mul3A_79 = arith.constant 16 : i32
      %mul3A_80 = arith.muli %scan3A_52, %mul3A_79 : i32
      %add3A_81 = arith.addi %mul3A_2, %mul3A_80 : i32
      %add3A_82 = arith.constant 2 : i32
      %add3A_83 = arith.addi %add3A_81, %add3A_82 : i32
      %dma_start3A_84 = arith.constant 0 : i32
      %dma_start3A_85 = tpu.memref_slice %arg7[%add3A_83, %dma_start3A_84] : memref<16384x32xf32, #tpu.memory_space<hbm>> -> memref<1x32xf32, #tpu.memory_space<hbm>>
      %dma_start3A_86 = arith.constant 0 : i32
      %dma_start3A_87 = tpu.memref_slice %arg3[%squeeze3A_78, %dma_start3A_86] : memref<1000001x32xf32, #tpu.memory_space<hbm>> -> memref<1x32xf32, #tpu.memory_space<hbm>>
      tpu.enqueue_dma source(%dma_start3A_87 : memref<1x32xf32, #tpu.memory_space<hbm>>) target(%dma_start3A_85 : memref<1x32xf32, #tpu.memory_space<hbm>>) target_semaphore(%arg12 : memref<!tpu.dma_semaphore, #tpu.memory_space<semaphore_mem>>)
      %slice3A_88 = vector.extract_strided_slice %get3A_57 {offsets = [3], sizes = [1], strides = [1]} : vector<16xi32> to vector<1xi32>
      %squeeze3A_89 = vector.extract %slice3A_88[0] : i32 from vector<1xi32>
      %mul3A_90 = arith.constant 16 : i32
      %mul3A_91 = arith.muli %scan3A_52, %mul3A_90 : i32
      %add3A_92 = arith.addi %mul3A_2, %mul3A_91 : i32
      %add3A_93 = arith.constant 3 : i32
      %add3A_94 = arith.addi %add3A_92, %add3A_93 : i32
      %dma_start3A_95 = arith.constant 0 : i32
      %dma_start3A_96 = tpu.memref_slice %arg7[%add3A_94, %dma_start3A_95] : memref<16384x32xf32, #tpu.memory_space<hbm>> -> memref<1x32xf32, #tpu.memory_space<hbm>>
      %dma_start3A_97 = arith.constant 0 : i32
      %dma_start3A_98 = tpu.memref_slice %arg3[%squeeze3A_89, %dma_start3A_97] : memref<1000001x32xf32, #tpu.memory_space<hbm>> -> memref<1x32xf32, #tpu.memory_space<hbm>>
      tpu.enqueue_dma source(%dma_start3A_98 : memref<1x32xf32, #tpu.memory_space<hbm>>) target(%dma_start3A_96 : memref<1x32xf32, #tpu.memory_space<hbm>>) target_semaphore(%arg12 : memref<!tpu.dma_semaphore, #tpu.memory_space<semaphore_mem>>)
      %slice3A_99 = vector.extract_strided_slice %get3A_57 {offsets = [4], sizes = [1], strides = [1]} : vector<16xi32> to vector<1xi32>
      %squeeze3A_100 = vector.extract %slice3A_99[0] : i32 from vector<1xi32>
      %mul3A_101 = arith.constant 16 : i32
      %mul3A_102 = arith.muli %scan3A_52, %mul3A_101 : i32
      %add3A_103 = arith.addi %mul3A_2, %mul3A_102 : i32
      %add3A_104 = arith.constant 4 : i32
      %add3A_105 = arith.addi %add3A_103, %add3A_104 : i32
      %dma_start3A_106 = arith.constant 0 : i32
      %dma_start3A_107 = tpu.memref_slice %arg7[%add3A_105, %dma_start3A_106] : memref<16384x32xf32, #tpu.memory_space<hbm>> -> memref<1x32xf32, #tpu.memory_space<hbm>>
      %dma_start3A_108 = arith.constant 0 : i32
      %dma_start3A_109 = tpu.memref_slice %arg3[%squeeze3A_100, %dma_start3A_108] : memref<1000001x32xf32, #tpu.memory_space<hbm>> -> memref<1x32xf32, #tpu.memory_space<hbm>>
      tpu.enqueue_dma source(%dma_start3A_109 : memref<1x32xf32, #tpu.memory_space<hbm>>) target(%dma_start3A_107 : memref<1x32xf32, #tpu.memory_space<hbm>>) target_semaphore(%arg12 : memref<!tpu.dma_semaphore, #tpu.memory_space<semaphore_mem>>)
      %slice3A_110 = vector.extract_strided_slice %get3A_57 {offsets = [5], sizes = [1], strides = [1]} : vector<16xi32> to vector<1xi32>
      %squeeze3A_111 = vector.extract %slice3A_110[0] : i32 from vector<1xi32>
      %mul3A_112 = arith.constant 16 : i32
      %mul3A_113 = arith.muli %scan3A_52, %mul3A_112 : i32
      %add3A_114 = arith.addi %mul3A_2, %mul3A_113 : i32
      %add3A_115 = arith.constant 5 : i32
      %add3A_116 = arith.addi %add3A_114, %add3A_115 : i32
      %dma_start3A_117 = arith.constant 0 : i32
      %dma_start3A_118 = tpu.memref_slice %arg7[%add3A_116, %dma_start3A_117] : memref<16384x32xf32, #tpu.memory_space<hbm>> -> memref<1x32xf32, #tpu.memory_space<hbm>>
      %dma_start3A_119 = arith.constant 0 : i32
      %dma_start3A_120 = tpu.memref_slice %arg3[%squeeze3A_111, %dma_start3A_119] : memref<1000001x32xf32, #tpu.memory_space<hbm>> -> memref<1x32xf32, #tpu.memory_space<hbm>>
      tpu.enqueue_dma source(%dma_start3A_120 : memref<1x32xf32, #tpu.memory_space<hbm>>) target(%dma_start3A_118 : memref<1x32xf32, #tpu.memory_space<hbm>>) target_semaphore(%arg12 : memref<!tpu.dma_semaphore, #tpu.memory_space<semaphore_mem>>)
      %slice3A_121 = vector.extract_strided_slice %get3A_57 {offsets = [6], sizes = [1], strides = [1]} : vector<16xi32> to vector<1xi32>
      %squeeze3A_122 = vector.extract %slice3A_121[0] : i32 from vector<1xi32>
      %mul3A_123 = arith.constant 16 : i32
      %mul3A_124 = arith.muli %scan3A_52, %mul3A_123 : i32
      %add3A_125 = arith.addi %mul3A_2, %mul3A_124 : i32
      %add3A_126 = arith.constant 6 : i32
      %add3A_127 = arith.addi %add3A_125, %add3A_126 : i32
      %dma_start3A_128 = arith.constant 0 : i32
      %dma_start3A_129 = tpu.memref_slice %arg7[%add3A_127, %dma_start3A_128] : memref<16384x32xf32, #tpu.memory_space<hbm>> -> memref<1x32xf32, #tpu.memory_space<hbm>>
      %dma_start3A_130 = arith.constant 0 : i32
      %dma_start3A_131 = tpu.memref_slice %arg3[%squeeze3A_122, %dma_start3A_130] : memref<1000001x32xf32, #tpu.memory_space<hbm>> -> memref<1x32xf32, #tpu.memory_space<hbm>>
      tpu.enqueue_dma source(%dma_start3A_131 : memref<1x32xf32, #tpu.memory_space<hbm>>) target(%dma_start3A_129 : memref<1x32xf32, #tpu.memory_space<hbm>>) target_semaphore(%arg12 : memref<!tpu.dma_semaphore, #tpu.memory_space<semaphore_mem>>)
      %slice3A_132 = vector.extract_strided_slice %get3A_57 {offsets = [7], sizes = [1], strides = [1]} : vector<16xi32> to vector<1xi32>
      %squeeze3A_133 = vector.extract %slice3A_132[0] : i32 from vector<1xi32>
      %mul3A_134 = arith.constant 16 : i32
      %mul3A_135 = arith.muli %scan3A_52, %mul3A_134 : i32
      %add3A_136 = arith.addi %mul3A_2, %mul3A_135 : i32
      %add3A_137 = arith.constant 7 : i32
      %add3A_138 = arith.addi %add3A_136, %add3A_137 : i32
      %dma_start3A_139 = arith.constant 0 : i32
      %dma_start3A_140 = tpu.memref_slice %arg7[%add3A_138, %dma_start3A_139] : memref<16384x32xf32, #tpu.memory_space<hbm>> -> memref<1x32xf32, #tpu.memory_space<hbm>>
      %dma_start3A_141 = arith.constant 0 : i32
      %dma_start3A_142 = tpu.memref_slice %arg3[%squeeze3A_133, %dma_start3A_141] : memref<1000001x32xf32, #tpu.memory_space<hbm>> -> memref<1x32xf32, #tpu.memory_space<hbm>>
      tpu.enqueue_dma source(%dma_start3A_142 : memref<1x32xf32, #tpu.memory_space<hbm>>) target(%dma_start3A_140 : memref<1x32xf32, #tpu.memory_space<hbm>>) target_semaphore(%arg12 : memref<!tpu.dma_semaphore, #tpu.memory_space<semaphore_mem>>)
      %slice3A_143 = vector.extract_strided_slice %get3A_57 {offsets = [8], sizes = [1], strides = [1]} : vector<16xi32> to vector<1xi32>
      %squeeze3A_144 = vector.extract %slice3A_143[0] : i32 from vector<1xi32>
      %mul3A_145 = arith.constant 16 : i32
      %mul3A_146 = arith.muli %scan3A_52, %mul3A_145 : i32
      %add3A_147 = arith.addi %mul3A_2, %mul3A_146 : i32
      %add3A_148 = arith.constant 8 : i32
      %add3A_149 = arith.addi %add3A_147, %add3A_148 : i32
      %dma_start3A_150 = arith.constant 0 : i32
      %dma_start3A_151 = tpu.memref_slice %arg7[%add3A_149, %dma_start3A_150] : memref<16384x32xf32, #tpu.memory_space<hbm>> -> memref<1x32xf32, #tpu.memory_space<hbm>>
      %dma_start3A_152 = arith.constant 0 : i32
      %dma_start3A_153 = tpu.memref_slice %arg3[%squeeze3A_144, %dma_start3A_152] : memref<1000001x32xf32, #tpu.memory_space<hbm>> -> memref<1x32xf32, #tpu.memory_space<hbm>>
      tpu.enqueue_dma source(%dma_start3A_153 : memref<1x32xf32, #tpu.memory_space<hbm>>) target(%dma_start3A_151 : memref<1x32xf32, #tpu.memory_space<hbm>>) target_semaphore(%arg12 : memref<!tpu.dma_semaphore, #tpu.memory_space<semaphore_mem>>)
      %slice3A_154 = vector.extract_strided_slice %get3A_57 {offsets = [9], sizes = [1], strides = [1]} : vector<16xi32> to vector<1xi32>
      %squeeze3A_155 = vector.extract %slice3A_154[0] : i32 from vector<1xi32>
      %mul3A_156 = arith.constant 16 : i32
      %mul3A_157 = arith.muli %scan3A_52, %mul3A_156 : i32
      %add3A_158 = arith.addi %mul3A_2, %mul3A_157 : i32
      %add3A_159 = arith.constant 9 : i32
      %add3A_160 = arith.addi %add3A_158, %add3A_159 : i32
      %dma_start3A_161 = arith.constant 0 : i32
      %dma_start3A_162 = tpu.memref_slice %arg7[%add3A_160, %dma_start3A_161] : memref<16384x32xf32, #tpu.memory_space<hbm>> -> memref<1x32xf32, #tpu.memory_space<hbm>>
      %dma_start3A_163 = arith.constant 0 : i32
      %dma_start3A_164 = tpu.memref_slice %arg3[%squeeze3A_155, %dma_start3A_163] : memref<1000001x32xf32, #tpu.memory_space<hbm>> -> memref<1x32xf32, #tpu.memory_space<hbm>>
      tpu.enqueue_dma source(%dma_start3A_164 : memref<1x32xf32, #tpu.memory_space<hbm>>) target(%dma_start3A_162 : memref<1x32xf32, #tpu.memory_space<hbm>>) target_semaphore(%arg12 : memref<!tpu.dma_semaphore, #tpu.memory_space<semaphore_mem>>)
      %slice3A_165 = vector.extract_strided_slice %get3A_57 {offsets = [10], sizes = [1], strides = [1]} : vector<16xi32> to vector<1xi32>
      %squeeze3A_166 = vector.extract %slice3A_165[0] : i32 from vector<1xi32>
      %mul3A_167 = arith.constant 16 : i32
      %mul3A_168 = arith.muli %scan3A_52, %mul3A_167 : i32
      %add3A_169 = arith.addi %mul3A_2, %mul3A_168 : i32
      %add3A_170 = arith.constant 10 : i32
      %add3A_171 = arith.addi %add3A_169, %add3A_170 : i32
      %dma_start3A_172 = arith.constant 0 : i32
      %dma_start3A_173 = tpu.memref_slice %arg7[%add3A_171, %dma_start3A_172] : memref<16384x32xf32, #tpu.memory_space<hbm>> -> memref<1x32xf32, #tpu.memory_space<hbm>>
      %dma_start3A_174 = arith.constant 0 : i32
      %dma_start3A_175 = tpu.memref_slice %arg3[%squeeze3A_166, %dma_start3A_174] : memref<1000001x32xf32, #tpu.memory_space<hbm>> -> memref<1x32xf32, #tpu.memory_space<hbm>>
      tpu.enqueue_dma source(%dma_start3A_175 : memref<1x32xf32, #tpu.memory_space<hbm>>) target(%dma_start3A_173 : memref<1x32xf32, #tpu.memory_space<hbm>>) target_semaphore(%arg12 : memref<!tpu.dma_semaphore, #tpu.memory_space<semaphore_mem>>)
      %slice3A_176 = vector.extract_strided_slice %get3A_57 {offsets = [11], sizes = [1], strides = [1]} : vector<16xi32> to vector<1xi32>
      %squeeze3A_177 = vector.extract %slice3A_176[0] : i32 from vector<1xi32>
      %mul3A_178 = arith.constant 16 : i32
      %mul3A_179 = arith.muli %scan3A_52, %mul3A_178 : i32
      %add3A_180 = arith.addi %mul3A_2, %mul3A_179 : i32
      %add3A_181 = arith.constant 11 : i32
      %add3A_182 = arith.addi %add3A_180, %add3A_181 : i32
      %dma_start3A_183 = arith.constant 0 : i32
      %dma_start3A_184 = tpu.memref_slice %arg7[%add3A_182, %dma_start3A_183] : memref<16384x32xf32, #tpu.memory_space<hbm>> -> memref<1x32xf32, #tpu.memory_space<hbm>>
      %dma_start3A_185 = arith.constant 0 : i32
      %dma_start3A_186 = tpu.memref_slice %arg3[%squeeze3A_177, %dma_start3A_185] : memref<1000001x32xf32, #tpu.memory_space<hbm>> -> memref<1x32xf32, #tpu.memory_space<hbm>>
      tpu.enqueue_dma source(%dma_start3A_186 : memref<1x32xf32, #tpu.memory_space<hbm>>) target(%dma_start3A_184 : memref<1x32xf32, #tpu.memory_space<hbm>>) target_semaphore(%arg12 : memref<!tpu.dma_semaphore, #tpu.memory_space<semaphore_mem>>)
      %slice3A_187 = vector.extract_strided_slice %get3A_57 {offsets = [12], sizes = [1], strides = [1]} : vector<16xi32> to vector<1xi32>
      %squeeze3A_188 = vector.extract %slice3A_187[0] : i32 from vector<1xi32>
      %mul3A_189 = arith.constant 16 : i32
      %mul3A_190 = arith.muli %scan3A_52, %mul3A_189 : i32
      %add3A_191 = arith.addi %mul3A_2, %mul3A_190 : i32
      %add3A_192 = arith.constant 12 : i32
      %add3A_193 = arith.addi %add3A_191, %add3A_192 : i32
      %dma_start3A_194 = arith.constant 0 : i32
      %dma_start3A_195 = tpu.memref_slice %arg7[%add3A_193, %dma_start3A_194] : memref<16384x32xf32, #tpu.memory_space<hbm>> -> memref<1x32xf32, #tpu.memory_space<hbm>>
      %dma_start3A_196 = arith.constant 0 : i32
      %dma_start3A_197 = tpu.memref_slice %arg3[%squeeze3A_188, %dma_start3A_196] : memref<1000001x32xf32, #tpu.memory_space<hbm>> -> memref<1x32xf32, #tpu.memory_space<hbm>>
      tpu.enqueue_dma source(%dma_start3A_197 : memref<1x32xf32, #tpu.memory_space<hbm>>) target(%dma_start3A_195 : memref<1x32xf32, #tpu.memory_space<hbm>>) target_semaphore(%arg12 : memref<!tpu.dma_semaphore, #tpu.memory_space<semaphore_mem>>)
      %slice3A_198 = vector.extract_strided_slice %get3A_57 {offsets = [13], sizes = [1], strides = [1]} : vector<16xi32> to vector<1xi32>
      %squeeze3A_199 = vector.extract %slice3A_198[0] : i32 from vector<1xi32>
      %mul3A_200 = arith.constant 16 : i32
      %mul3A_201 = arith.muli %scan3A_52, %mul3A_200 : i32
      %add3A_202 = arith.addi %mul3A_2, %mul3A_201 : i32
      %add3A_203 = arith.constant 13 : i32
      %add3A_204 = arith.addi %add3A_202, %add3A_203 : i32
      %dma_start3A_205 = arith.constant 0 : i32
      %dma_start3A_206 = tpu.memref_slice %arg7[%add3A_204, %dma_start3A_205] : memref<16384x32xf32, #tpu.memory_space<hbm>> -> memref<1x32xf32, #tpu.memory_space<hbm>>
      %dma_start3A_207 = arith.constant 0 : i32
      %dma_start3A_208 = tpu.memref_slice %arg3[%squeeze3A_199, %dma_start3A_207] : memref<1000001x32xf32, #tpu.memory_space<hbm>> -> memref<1x32xf32, #tpu.memory_space<hbm>>
      tpu.enqueue_dma source(%dma_start3A_208 : memref<1x32xf32, #tpu.memory_space<hbm>>) target(%dma_start3A_206 : memref<1x32xf32, #tpu.memory_space<hbm>>) target_semaphore(%arg12 : memref<!tpu.dma_semaphore, #tpu.memory_space<semaphore_mem>>)
      %slice3A_209 = vector.extract_strided_slice %get3A_57 {offsets = [14], sizes = [1], strides = [1]} : vector<16xi32> to vector<1xi32>
      %squeeze3A_210 = vector.extract %slice3A_209[0] : i32 from vector<1xi32>
      %mul3A_211 = arith.constant 16 : i32
      %mul3A_212 = arith.muli %scan3A_52, %mul3A_211 : i32
      %add3A_213 = arith.addi %mul3A_2, %mul3A_212 : i32
      %add3A_214 = arith.constant 14 : i32
      %add3A_215 = arith.addi %add3A_213, %add3A_214 : i32
      %dma_start3A_216 = arith.constant 0 : i32
      %dma_start3A_217 = tpu.memref_slice %arg7[%add3A_215, %dma_start3A_216] : memref<16384x32xf32, #tpu.memory_space<hbm>> -> memref<1x32xf32, #tpu.memory_space<hbm>>
      %dma_start3A_218 = arith.constant 0 : i32
      %dma_start3A_219 = tpu.memref_slice %arg3[%squeeze3A_210, %dma_start3A_218] : memref<1000001x32xf32, #tpu.memory_space<hbm>> -> memref<1x32xf32, #tpu.memory_space<hbm>>
      tpu.enqueue_dma source(%dma_start3A_219 : memref<1x32xf32, #tpu.memory_space<hbm>>) target(%dma_start3A_217 : memref<1x32xf32, #tpu.memory_space<hbm>>) target_semaphore(%arg12 : memref<!tpu.dma_semaphore, #tpu.memory_space<semaphore_mem>>)
      %slice3A_220 = vector.extract_strided_slice %get3A_57 {offsets = [15], sizes = [1], strides = [1]} : vector<16xi32> to vector<1xi32>
      %squeeze3A_221 = vector.extract %slice3A_220[0] : i32 from vector<1xi32>
      %mul3A_222 = arith.constant 16 : i32
      %mul3A_223 = arith.muli %scan3A_52, %mul3A_222 : i32
      %add3A_224 = arith.addi %mul3A_2, %mul3A_223 : i32
      %add3A_225 = arith.constant 15 : i32
      %add3A_226 = arith.addi %add3A_224, %add3A_225 : i32
      %dma_start3A_227 = arith.constant 0 : i32
      %dma_start3A_228 = tpu.memref_slice %arg7[%add3A_226, %dma_start3A_227] : memref<16384x32xf32, #tpu.memory_space<hbm>> -> memref<1x32xf32, #tpu.memory_space<hbm>>
      %dma_start3A_229 = arith.constant 0 : i32
      %dma_start3A_230 = tpu.memref_slice %arg3[%squeeze3A_221, %dma_start3A_229] : memref<1000001x32xf32, #tpu.memory_space<hbm>> -> memref<1x32xf32, #tpu.memory_space<hbm>>
      tpu.enqueue_dma source(%dma_start3A_230 : memref<1x32xf32, #tpu.memory_space<hbm>>) target(%dma_start3A_228 : memref<1x32xf32, #tpu.memory_space<hbm>>) target_semaphore(%arg12 : memref<!tpu.dma_semaphore, #tpu.memory_space<semaphore_mem>>)
      %scan3A_231 = arith.constant 0 : i32
      scf.yield %scan3A_231 : i32
    }
    %scan3A_8 = arith.constant 32 : i32
    %run_scoped3A_9 = arith.constant 1 : i32
    "tpu.region"() ({
      %run_scoped3A_52 = tpu.sem_alloc : memref<!tpu.dma_semaphore, #tpu.memory_space<semaphore_mem>>
      %dma_start3A = arith.constant 0 : i32
      %dma_start3A_53 = tpu.memref_slice %arg2[%run_scoped3A_9, %add3A, %dma_start3A] : memref<4x32x512xi32, #tpu.memory_space<hbm>> -> memref<1x1x512xi32, #tpu.memory_space<hbm>>
      %dma_start3A_54 = tpu.memref_squeeze %dma_start3A_53 : memref<1x1x512xi32, #tpu.memory_space<hbm>> -> memref<512xi32, #tpu.memory_space<hbm>>
      %dma_start3A_55 = arith.constant 0 : i32
      %dma_start3A_56 = tpu.memref_slice %arg2[%run_scoped3A_9, %add3A, %dma_start3A_55] : memref<4x32x512xi32, #tpu.memory_space<hbm>> -> memref<1x1x512xi32, #tpu.memory_space<hbm>>
      %dma_start3A_57 = tpu.memref_squeeze %dma_start3A_56 : memref<1x1x512xi32, #tpu.memory_space<hbm>> -> memref<512xi32, #tpu.memory_space<hbm>>
      tpu.enqueue_dma source(%dma_start3A_57 : memref<512xi32, #tpu.memory_space<hbm>>) target(%arg11 : memref<512xi32, #tpu.memory_space<vmem>>) target_semaphore(%run_scoped3A_52 : memref<!tpu.dma_semaphore, #tpu.memory_space<semaphore_mem>>)
      %dma_wait3A_58 = arith.constant 0 : i32
      %dma_wait3A_59 = tpu.memref_slice %arg2[%run_scoped3A_9, %add3A, %dma_wait3A_58] : memref<4x32x512xi32, #tpu.memory_space<hbm>> -> memref<1x1x512xi32, #tpu.memory_space<hbm>>
      %dma_wait3A_60 = tpu.memref_squeeze %dma_wait3A_59 : memref<1x1x512xi32, #tpu.memory_space<hbm>> -> memref<512xi32, #tpu.memory_space<hbm>>
      %dma_wait3A_61 = arith.constant 0 : i32
      %dma_wait3A_62 = tpu.memref_slice %arg2[%run_scoped3A_9, %add3A, %dma_wait3A_61] : memref<4x32x512xi32, #tpu.memory_space<hbm>> -> memref<1x1x512xi32, #tpu.memory_space<hbm>>
      %dma_wait3A_63 = tpu.memref_squeeze %dma_wait3A_62 : memref<1x1x512xi32, #tpu.memory_space<hbm>> -> memref<512xi32, #tpu.memory_space<hbm>>
      tpu.wait_dma2 semaphore(%run_scoped3A_52 : memref<!tpu.dma_semaphore, #tpu.memory_space<semaphore_mem>>) src(%dma_wait3A_63 : memref<512xi32, #tpu.memory_space<hbm>>) dst(%arg11 : memref<512xi32, #tpu.memory_space<vmem>>)
      tpu.yield
    }) : () -> ()
    %scan3A_10 = arith.constant 0 : i32
    %scan3A_11 = arith.constant 0 : i32
    %scan3A_12 = arith.constant 32 : i32
    %scan3A_13 = arith.addi %scan3A_11, %scan3A_12 : i32
    %scan3A_14 = arith.constant 1 : i32
    %scan3A_15 = scf.for %scan3A_52 = %scan3A_11 to %scan3A_13 step %scan3A_14 iter_args(%scan3A_53 = %scan3A_10) -> (i32)  : i32 {
      %mul3A_54 = arith.constant 16 : i32
      %mul3A_55 = arith.muli %scan3A_52, %mul3A_54 : i32
      %get3A = arith.index_cast %mul3A_55 : i32 to index
      %get3A_56 = tpu.vector_load %arg11[%get3A] {strides = array<i32>} : memref<512xi32, #tpu.memory_space<vmem>>, vector<16xi32>,
      %get3A_57 = vector.shape_cast %get3A_56 : vector<16xi32> to vector<16xi32>
      %slice3A = vector.extract_strided_slice %get3A_57 {offsets = [0], sizes = [1], strides = [1]} : vector<16xi32> to vector<1xi32>
      %squeeze3A = vector.extract %slice3A[0] : i32 from vector<1xi32>
      %mul3A_58 = arith.constant 16 : i32
      %mul3A_59 = arith.muli %scan3A_52, %mul3A_58 : i32
      %add3A_60 = arith.addi %mul3A_2, %mul3A_59 : i32
      %add3A_61 = arith.constant 0 : i32
      %add3A_62 = arith.addi %add3A_60, %add3A_61 : i32
      %dma_start3A = arith.constant 0 : i32
      %dma_start3A_63 = tpu.memref_slice %arg8[%add3A_62, %dma_start3A] : memref<16384x32xf32, #tpu.memory_space<hbm>> -> memref<1x32xf32, #tpu.memory_space<hbm>>
      %dma_start3A_64 = arith.constant 0 : i32
      %dma_start3A_65 = tpu.memref_slice %arg4[%squeeze3A, %dma_start3A_64] : memref<1000001x32xf32, #tpu.memory_space<hbm>> -> memref<1x32xf32, #tpu.memory_space<hbm>>
      tpu.enqueue_dma source(%dma_start3A_65 : memref<1x32xf32, #tpu.memory_space<hbm>>) target(%dma_start3A_63 : memref<1x32xf32, #tpu.memory_space<hbm>>) target_semaphore(%arg12 : memref<!tpu.dma_semaphore, #tpu.memory_space<semaphore_mem>>)
      %slice3A_66 = vector.extract_strided_slice %get3A_57 {offsets = [1], sizes = [1], strides = [1]} : vector<16xi32> to vector<1xi32>
      %squeeze3A_67 = vector.extract %slice3A_66[0] : i32 from vector<1xi32>
      %mul3A_68 = arith.constant 16 : i32
      %mul3A_69 = arith.muli %scan3A_52, %mul3A_68 : i32
      %add3A_70 = arith.addi %mul3A_2, %mul3A_69 : i32
      %add3A_71 = arith.constant 1 : i32
      %add3A_72 = arith.addi %add3A_70, %add3A_71 : i32
      %dma_start3A_73 = arith.constant 0 : i32
      %dma_start3A_74 = tpu.memref_slice %arg8[%add3A_72, %dma_start3A_73] : memref<16384x32xf32, #tpu.memory_space<hbm>> -> memref<1x32xf32, #tpu.memory_space<hbm>>
      %dma_start3A_75 = arith.constant 0 : i32
      %dma_start3A_76 = tpu.memref_slice %arg4[%squeeze3A_67, %dma_start3A_75] : memref<1000001x32xf32, #tpu.memory_space<hbm>> -> memref<1x32xf32, #tpu.memory_space<hbm>>
      tpu.enqueue_dma source(%dma_start3A_76 : memref<1x32xf32, #tpu.memory_space<hbm>>) target(%dma_start3A_74 : memref<1x32xf32, #tpu.memory_space<hbm>>) target_semaphore(%arg12 : memref<!tpu.dma_semaphore, #tpu.memory_space<semaphore_mem>>)
      %slice3A_77 = vector.extract_strided_slice %get3A_57 {offsets = [2], sizes = [1], strides = [1]} : vector<16xi32> to vector<1xi32>
      %squeeze3A_78 = vector.extract %slice3A_77[0] : i32 from vector<1xi32>
      %mul3A_79 = arith.constant 16 : i32
      %mul3A_80 = arith.muli %scan3A_52, %mul3A_79 : i32
      %add3A_81 = arith.addi %mul3A_2, %mul3A_80 : i32
      %add3A_82 = arith.constant 2 : i32
      %add3A_83 = arith.addi %add3A_81, %add3A_82 : i32
      %dma_start3A_84 = arith.constant 0 : i32
      %dma_start3A_85 = tpu.memref_slice %arg8[%add3A_83, %dma_start3A_84] : memref<16384x32xf32, #tpu.memory_space<hbm>> -> memref<1x32xf32, #tpu.memory_space<hbm>>
      %dma_start3A_86 = arith.constant 0 : i32
      %dma_start3A_87 = tpu.memref_slice %arg4[%squeeze3A_78, %dma_start3A_86] : memref<1000001x32xf32, #tpu.memory_space<hbm>> -> memref<1x32xf32, #tpu.memory_space<hbm>>
      tpu.enqueue_dma source(%dma_start3A_87 : memref<1x32xf32, #tpu.memory_space<hbm>>) target(%dma_start3A_85 : memref<1x32xf32, #tpu.memory_space<hbm>>) target_semaphore(%arg12 : memref<!tpu.dma_semaphore, #tpu.memory_space<semaphore_mem>>)
      %slice3A_88 = vector.extract_strided_slice %get3A_57 {offsets = [3], sizes = [1], strides = [1]} : vector<16xi32> to vector<1xi32>
      %squeeze3A_89 = vector.extract %slice3A_88[0] : i32 from vector<1xi32>
      %mul3A_90 = arith.constant 16 : i32
      %mul3A_91 = arith.muli %scan3A_52, %mul3A_90 : i32
      %add3A_92 = arith.addi %mul3A_2, %mul3A_91 : i32
      %add3A_93 = arith.constant 3 : i32
      %add3A_94 = arith.addi %add3A_92, %add3A_93 : i32
      %dma_start3A_95 = arith.constant 0 : i32
      %dma_start3A_96 = tpu.memref_slice %arg8[%add3A_94, %dma_start3A_95] : memref<16384x32xf32, #tpu.memory_space<hbm>> -> memref<1x32xf32, #tpu.memory_space<hbm>>
      %dma_start3A_97 = arith.constant 0 : i32
      %dma_start3A_98 = tpu.memref_slice %arg4[%squeeze3A_89, %dma_start3A_97] : memref<1000001x32xf32, #tpu.memory_space<hbm>> -> memref<1x32xf32, #tpu.memory_space<hbm>>
      tpu.enqueue_dma source(%dma_start3A_98 : memref<1x32xf32, #tpu.memory_space<hbm>>) target(%dma_start3A_96 : memref<1x32xf32, #tpu.memory_space<hbm>>) target_semaphore(%arg12 : memref<!tpu.dma_semaphore, #tpu.memory_space<semaphore_mem>>)
      %slice3A_99 = vector.extract_strided_slice %get3A_57 {offsets = [4], sizes = [1], strides = [1]} : vector<16xi32> to vector<1xi32>
      %squeeze3A_100 = vector.extract %slice3A_99[0] : i32 from vector<1xi32>
      %mul3A_101 = arith.constant 16 : i32
      %mul3A_102 = arith.muli %scan3A_52, %mul3A_101 : i32
      %add3A_103 = arith.addi %mul3A_2, %mul3A_102 : i32
      %add3A_104 = arith.constant 4 : i32
      %add3A_105 = arith.addi %add3A_103, %add3A_104 : i32
      %dma_start3A_106 = arith.constant 0 : i32
      %dma_start3A_107 = tpu.memref_slice %arg8[%add3A_105, %dma_start3A_106] : memref<16384x32xf32, #tpu.memory_space<hbm>> -> memref<1x32xf32, #tpu.memory_space<hbm>>
      %dma_start3A_108 = arith.constant 0 : i32
      %dma_start3A_109 = tpu.memref_slice %arg4[%squeeze3A_100, %dma_start3A_108] : memref<1000001x32xf32, #tpu.memory_space<hbm>> -> memref<1x32xf32, #tpu.memory_space<hbm>>
      tpu.enqueue_dma source(%dma_start3A_109 : memref<1x32xf32, #tpu.memory_space<hbm>>) target(%dma_start3A_107 : memref<1x32xf32, #tpu.memory_space<hbm>>) target_semaphore(%arg12 : memref<!tpu.dma_semaphore, #tpu.memory_space<semaphore_mem>>)
      %slice3A_110 = vector.extract_strided_slice %get3A_57 {offsets = [5], sizes = [1], strides = [1]} : vector<16xi32> to vector<1xi32>
      %squeeze3A_111 = vector.extract %slice3A_110[0] : i32 from vector<1xi32>
      %mul3A_112 = arith.constant 16 : i32
      %mul3A_113 = arith.muli %scan3A_52, %mul3A_112 : i32
      %add3A_114 = arith.addi %mul3A_2, %mul3A_113 : i32
      %add3A_115 = arith.constant 5 : i32
      %add3A_116 = arith.addi %add3A_114, %add3A_115 : i32
      %dma_start3A_117 = arith.constant 0 : i32
      %dma_start3A_118 = tpu.memref_slice %arg8[%add3A_116, %dma_start3A_117] : memref<16384x32xf32, #tpu.memory_space<hbm>> -> memref<1x32xf32, #tpu.memory_space<hbm>>
      %dma_start3A_119 = arith.constant 0 : i32
      %dma_start3A_120 = tpu.memref_slice %arg4[%squeeze3A_111, %dma_start3A_119] : memref<1000001x32xf32, #tpu.memory_space<hbm>> -> memref<1x32xf32, #tpu.memory_space<hbm>>
      tpu.enqueue_dma source(%dma_start3A_120 : memref<1x32xf32, #tpu.memory_space<hbm>>) target(%dma_start3A_118 : memref<1x32xf32, #tpu.memory_space<hbm>>) target_semaphore(%arg12 : memref<!tpu.dma_semaphore, #tpu.memory_space<semaphore_mem>>)
      %slice3A_121 = vector.extract_strided_slice %get3A_57 {offsets = [6], sizes = [1], strides = [1]} : vector<16xi32> to vector<1xi32>
      %squeeze3A_122 = vector.extract %slice3A_121[0] : i32 from vector<1xi32>
      %mul3A_123 = arith.constant 16 : i32
      %mul3A_124 = arith.muli %scan3A_52, %mul3A_123 : i32
      %add3A_125 = arith.addi %mul3A_2, %mul3A_124 : i32
      %add3A_126 = arith.constant 6 : i32
      %add3A_127 = arith.addi %add3A_125, %add3A_126 : i32
      %dma_start3A_128 = arith.constant 0 : i32
      %dma_start3A_129 = tpu.memref_slice %arg8[%add3A_127, %dma_start3A_128] : memref<16384x32xf32, #tpu.memory_space<hbm>> -> memref<1x32xf32, #tpu.memory_space<hbm>>
      %dma_start3A_130 = arith.constant 0 : i32
      %dma_start3A_131 = tpu.memref_slice %arg4[%squeeze3A_122, %dma_start3A_130] : memref<1000001x32xf32, #tpu.memory_space<hbm>> -> memref<1x32xf32, #tpu.memory_space<hbm>>
      tpu.enqueue_dma source(%dma_start3A_131 : memref<1x32xf32, #tpu.memory_space<hbm>>) target(%dma_start3A_129 : memref<1x32xf32, #tpu.memory_space<hbm>>) target_semaphore(%arg12 : memref<!tpu.dma_semaphore, #tpu.memory_space<semaphore_mem>>)
      %slice3A_132 = vector.extract_strided_slice %get3A_57 {offsets = [7], sizes = [1], strides = [1]} : vector<16xi32> to vector<1xi32>
      %squeeze3A_133 = vector.extract %slice3A_132[0] : i32 from vector<1xi32>
      %mul3A_134 = arith.constant 16 : i32
      %mul3A_135 = arith.muli %scan3A_52, %mul3A_134 : i32
      %add3A_136 = arith.addi %mul3A_2, %mul3A_135 : i32
      %add3A_137 = arith.constant 7 : i32
      %add3A_138 = arith.addi %add3A_136, %add3A_137 : i32
      %dma_start3A_139 = arith.constant 0 : i32
      %dma_start3A_140 = tpu.memref_slice %arg8[%add3A_138, %dma_start3A_139] : memref<16384x32xf32, #tpu.memory_space<hbm>> -> memref<1x32xf32, #tpu.memory_space<hbm>>
      %dma_start3A_141 = arith.constant 0 : i32
      %dma_start3A_142 = tpu.memref_slice %arg4[%squeeze3A_133, %dma_start3A_141] : memref<1000001x32xf32, #tpu.memory_space<hbm>> -> memref<1x32xf32, #tpu.memory_space<hbm>>
      tpu.enqueue_dma source(%dma_start3A_142 : memref<1x32xf32, #tpu.memory_space<hbm>>) target(%dma_start3A_140 : memref<1x32xf32, #tpu.memory_space<hbm>>) target_semaphore(%arg12 : memref<!tpu.dma_semaphore, #tpu.memory_space<semaphore_mem>>)
      %slice3A_143 = vector.extract_strided_slice %get3A_57 {offsets = [8], sizes = [1], strides = [1]} : vector<16xi32> to vector<1xi32>
      %squeeze3A_144 = vector.extract %slice3A_143[0] : i32 from vector<1xi32>
      %mul3A_145 = arith.constant 16 : i32
      %mul3A_146 = arith.muli %scan3A_52, %mul3A_145 : i32
      %add3A_147 = arith.addi %mul3A_2, %mul3A_146 : i32
      %add3A_148 = arith.constant 8 : i32
      %add3A_149 = arith.addi %add3A_147, %add3A_148 : i32
      %dma_start3A_150 = arith.constant 0 : i32
      %dma_start3A_151 = tpu.memref_slice %arg8[%add3A_149, %dma_start3A_150] : memref<16384x32xf32, #tpu.memory_space<hbm>> -> memref<1x32xf32, #tpu.memory_space<hbm>>
      %dma_start3A_152 = arith.constant 0 : i32
      %dma_start3A_153 = tpu.memref_slice %arg4[%squeeze3A_144, %dma_start3A_152] : memref<1000001x32xf32, #tpu.memory_space<hbm>> -> memref<1x32xf32, #tpu.memory_space<hbm>>
      tpu.enqueue_dma source(%dma_start3A_153 : memref<1x32xf32, #tpu.memory_space<hbm>>) target(%dma_start3A_151 : memref<1x32xf32, #tpu.memory_space<hbm>>) target_semaphore(%arg12 : memref<!tpu.dma_semaphore, #tpu.memory_space<semaphore_mem>>)
      %slice3A_154 = vector.extract_strided_slice %get3A_57 {offsets = [9], sizes = [1], strides = [1]} : vector<16xi32> to vector<1xi32>
      %squeeze3A_155 = vector.extract %slice3A_154[0] : i32 from vector<1xi32>
      %mul3A_156 = arith.constant 16 : i32
      %mul3A_157 = arith.muli %scan3A_52, %mul3A_156 : i32
      %add3A_158 = arith.addi %mul3A_2, %mul3A_157 : i32
      %add3A_159 = arith.constant 9 : i32
      %add3A_160 = arith.addi %add3A_158, %add3A_159 : i32
      %dma_start3A_161 = arith.constant 0 : i32
      %dma_start3A_162 = tpu.memref_slice %arg8[%add3A_160, %dma_start3A_161] : memref<16384x32xf32, #tpu.memory_space<hbm>> -> memref<1x32xf32, #tpu.memory_space<hbm>>
      %dma_start3A_163 = arith.constant 0 : i32
      %dma_start3A_164 = tpu.memref_slice %arg4[%squeeze3A_155, %dma_start3A_163] : memref<1000001x32xf32, #tpu.memory_space<hbm>> -> memref<1x32xf32, #tpu.memory_space<hbm>>
      tpu.enqueue_dma source(%dma_start3A_164 : memref<1x32xf32, #tpu.memory_space<hbm>>) target(%dma_start3A_162 : memref<1x32xf32, #tpu.memory_space<hbm>>) target_semaphore(%arg12 : memref<!tpu.dma_semaphore, #tpu.memory_space<semaphore_mem>>)
      %slice3A_165 = vector.extract_strided_slice %get3A_57 {offsets = [10], sizes = [1], strides = [1]} : vector<16xi32> to vector<1xi32>
      %squeeze3A_166 = vector.extract %slice3A_165[0] : i32 from vector<1xi32>
      %mul3A_167 = arith.constant 16 : i32
      %mul3A_168 = arith.muli %scan3A_52, %mul3A_167 : i32
      %add3A_169 = arith.addi %mul3A_2, %mul3A_168 : i32
      %add3A_170 = arith.constant 10 : i32
      %add3A_171 = arith.addi %add3A_169, %add3A_170 : i32
      %dma_start3A_172 = arith.constant 0 : i32
      %dma_start3A_173 = tpu.memref_slice %arg8[%add3A_171, %dma_start3A_172] : memref<16384x32xf32, #tpu.memory_space<hbm>> -> memref<1x32xf32, #tpu.memory_space<hbm>>
      %dma_start3A_174 = arith.constant 0 : i32
      %dma_start3A_175 = tpu.memref_slice %arg4[%squeeze3A_166, %dma_start3A_174] : memref<1000001x32xf32, #tpu.memory_space<hbm>> -> memref<1x32xf32, #tpu.memory_space<hbm>>
      tpu.enqueue_dma source(%dma_start3A_175 : memref<1x32xf32, #tpu.memory_space<hbm>>) target(%dma_start3A_173 : memref<1x32xf32, #tpu.memory_space<hbm>>) target_semaphore(%arg12 : memref<!tpu.dma_semaphore, #tpu.memory_space<semaphore_mem>>)
      %slice3A_176 = vector.extract_strided_slice %get3A_57 {offsets = [11], sizes = [1], strides = [1]} : vector<16xi32> to vector<1xi32>
      %squeeze3A_177 = vector.extract %slice3A_176[0] : i32 from vector<1xi32>
      %mul3A_178 = arith.constant 16 : i32
      %mul3A_179 = arith.muli %scan3A_52, %mul3A_178 : i32
      %add3A_180 = arith.addi %mul3A_2, %mul3A_179 : i32
      %add3A_181 = arith.constant 11 : i32
      %add3A_182 = arith.addi %add3A_180, %add3A_181 : i32
      %dma_start3A_183 = arith.constant 0 : i32
      %dma_start3A_184 = tpu.memref_slice %arg8[%add3A_182, %dma_start3A_183] : memref<16384x32xf32, #tpu.memory_space<hbm>> -> memref<1x32xf32, #tpu.memory_space<hbm>>
      %dma_start3A_185 = arith.constant 0 : i32
      %dma_start3A_186 = tpu.memref_slice %arg4[%squeeze3A_177, %dma_start3A_185] : memref<1000001x32xf32, #tpu.memory_space<hbm>> -> memref<1x32xf32, #tpu.memory_space<hbm>>
      tpu.enqueue_dma source(%dma_start3A_186 : memref<1x32xf32, #tpu.memory_space<hbm>>) target(%dma_start3A_184 : memref<1x32xf32, #tpu.memory_space<hbm>>) target_semaphore(%arg12 : memref<!tpu.dma_semaphore, #tpu.memory_space<semaphore_mem>>)
      %slice3A_187 = vector.extract_strided_slice %get3A_57 {offsets = [12], sizes = [1], strides = [1]} : vector<16xi32> to vector<1xi32>
      %squeeze3A_188 = vector.extract %slice3A_187[0] : i32 from vector<1xi32>
      %mul3A_189 = arith.constant 16 : i32
      %mul3A_190 = arith.muli %scan3A_52, %mul3A_189 : i32
      %add3A_191 = arith.addi %mul3A_2, %mul3A_190 : i32
      %add3A_192 = arith.constant 12 : i32
      %add3A_193 = arith.addi %add3A_191, %add3A_192 : i32
      %dma_start3A_194 = arith.constant 0 : i32
      %dma_start3A_195 = tpu.memref_slice %arg8[%add3A_193, %dma_start3A_194] : memref<16384x32xf32, #tpu.memory_space<hbm>> -> memref<1x32xf32, #tpu.memory_space<hbm>>
      %dma_start3A_196 = arith.constant 0 : i32
      %dma_start3A_197 = tpu.memref_slice %arg4[%squeeze3A_188, %dma_start3A_196] : memref<1000001x32xf32, #tpu.memory_space<hbm>> -> memref<1x32xf32, #tpu.memory_space<hbm>>
      tpu.enqueue_dma source(%dma_start3A_197 : memref<1x32xf32, #tpu.memory_space<hbm>>) target(%dma_start3A_195 : memref<1x32xf32, #tpu.memory_space<hbm>>) target_semaphore(%arg12 : memref<!tpu.dma_semaphore, #tpu.memory_space<semaphore_mem>>)
      %slice3A_198 = vector.extract_strided_slice %get3A_57 {offsets = [13], sizes = [1], strides = [1]} : vector<16xi32> to vector<1xi32>
      %squeeze3A_199 = vector.extract %slice3A_198[0] : i32 from vector<1xi32>
      %mul3A_200 = arith.constant 16 : i32
      %mul3A_201 = arith.muli %scan3A_52, %mul3A_200 : i32
      %add3A_202 = arith.addi %mul3A_2, %mul3A_201 : i32
      %add3A_203 = arith.constant 13 : i32
      %add3A_204 = arith.addi %add3A_202, %add3A_203 : i32
      %dma_start3A_205 = arith.constant 0 : i32
      %dma_start3A_206 = tpu.memref_slice %arg8[%add3A_204, %dma_start3A_205] : memref<16384x32xf32, #tpu.memory_space<hbm>> -> memref<1x32xf32, #tpu.memory_space<hbm>>
      %dma_start3A_207 = arith.constant 0 : i32
      %dma_start3A_208 = tpu.memref_slice %arg4[%squeeze3A_199, %dma_start3A_207] : memref<1000001x32xf32, #tpu.memory_space<hbm>> -> memref<1x32xf32, #tpu.memory_space<hbm>>
      tpu.enqueue_dma source(%dma_start3A_208 : memref<1x32xf32, #tpu.memory_space<hbm>>) target(%dma_start3A_206 : memref<1x32xf32, #tpu.memory_space<hbm>>) target_semaphore(%arg12 : memref<!tpu.dma_semaphore, #tpu.memory_space<semaphore_mem>>)
      %slice3A_209 = vector.extract_strided_slice %get3A_57 {offsets = [14], sizes = [1], strides = [1]} : vector<16xi32> to vector<1xi32>
      %squeeze3A_210 = vector.extract %slice3A_209[0] : i32 from vector<1xi32>
      %mul3A_211 = arith.constant 16 : i32
      %mul3A_212 = arith.muli %scan3A_52, %mul3A_211 : i32
      %add3A_213 = arith.addi %mul3A_2, %mul3A_212 : i32
      %add3A_214 = arith.constant 14 : i32
      %add3A_215 = arith.addi %add3A_213, %add3A_214 : i32
      %dma_start3A_216 = arith.constant 0 : i32
      %dma_start3A_217 = tpu.memref_slice %arg8[%add3A_215, %dma_start3A_216] : memref<16384x32xf32, #tpu.memory_space<hbm>> -> memref<1x32xf32, #tpu.memory_space<hbm>>
      %dma_start3A_218 = arith.constant 0 : i32
      %dma_start3A_219 = tpu.memref_slice %arg4[%squeeze3A_210, %dma_start3A_218] : memref<1000001x32xf32, #tpu.memory_space<hbm>> -> memref<1x32xf32, #tpu.memory_space<hbm>>
      tpu.enqueue_dma source(%dma_start3A_219 : memref<1x32xf32, #tpu.memory_space<hbm>>) target(%dma_start3A_217 : memref<1x32xf32, #tpu.memory_space<hbm>>) target_semaphore(%arg12 : memref<!tpu.dma_semaphore, #tpu.memory_space<semaphore_mem>>)
      %slice3A_220 = vector.extract_strided_slice %get3A_57 {offsets = [15], sizes = [1], strides = [1]} : vector<16xi32> to vector<1xi32>
      %squeeze3A_221 = vector.extract %slice3A_220[0] : i32 from vector<1xi32>
      %mul3A_222 = arith.constant 16 : i32
      %mul3A_223 = arith.muli %scan3A_52, %mul3A_222 : i32
      %add3A_224 = arith.addi %mul3A_2, %mul3A_223 : i32
      %add3A_225 = arith.constant 15 : i32
      %add3A_226 = arith.addi %add3A_224, %add3A_225 : i32
      %dma_start3A_227 = arith.constant 0 : i32
      %dma_start3A_228 = tpu.memref_slice %arg8[%add3A_226, %dma_start3A_227] : memref<16384x32xf32, #tpu.memory_space<hbm>> -> memref<1x32xf32, #tpu.memory_space<hbm>>
      %dma_start3A_229 = arith.constant 0 : i32
      %dma_start3A_230 = tpu.memref_slice %arg4[%squeeze3A_221, %dma_start3A_229] : memref<1000001x32xf32, #tpu.memory_space<hbm>> -> memref<1x32xf32, #tpu.memory_space<hbm>>
      tpu.enqueue_dma source(%dma_start3A_230 : memref<1x32xf32, #tpu.memory_space<hbm>>) target(%dma_start3A_228 : memref<1x32xf32, #tpu.memory_space<hbm>>) target_semaphore(%arg12 : memref<!tpu.dma_semaphore, #tpu.memory_space<semaphore_mem>>)
      %scan3A_231 = arith.constant 0 : i32
      scf.yield %scan3A_231 : i32
    }
    %scan3A_16 = arith.constant 32 : i32
    %run_scoped3A_17 = arith.constant 2 : i32
    "tpu.region"() ({
      %run_scoped3A_52 = tpu.sem_alloc : memref<!tpu.dma_semaphore, #tpu.memory_space<semaphore_mem>>
      %dma_start3A = arith.constant 0 : i32
      %dma_start3A_53 = tpu.memref_slice %arg2[%run_scoped3A_17, %add3A, %dma_start3A] : memref<4x32x512xi32, #tpu.memory_space<hbm>> -> memref<1x1x512xi32, #tpu.memory_space<hbm>>
      %dma_start3A_54 = tpu.memref_squeeze %dma_start3A_53 : memref<1x1x512xi32, #tpu.memory_space<hbm>> -> memref<512xi32, #tpu.memory_space<hbm>>
      %dma_start3A_55 = arith.constant 0 : i32
      %dma_start3A_56 = tpu.memref_slice %arg2[%run_scoped3A_17, %add3A, %dma_start3A_55] : memref<4x32x512xi32, #tpu.memory_space<hbm>> -> memref<1x1x512xi32, #tpu.memory_space<hbm>>
      %dma_start3A_57 = tpu.memref_squeeze %dma_start3A_56 : memref<1x1x512xi32, #tpu.memory_space<hbm>> -> memref<512xi32, #tpu.memory_space<hbm>>
      tpu.enqueue_dma source(%dma_start3A_57 : memref<512xi32, #tpu.memory_space<hbm>>) target(%arg11 : memref<512xi32, #tpu.memory_space<vmem>>) target_semaphore(%run_scoped3A_52 : memref<!tpu.dma_semaphore, #tpu.memory_space<semaphore_mem>>)
      %dma_wait3A_58 = arith.constant 0 : i32
      %dma_wait3A_59 = tpu.memref_slice %arg2[%run_scoped3A_17, %add3A, %dma_wait3A_58] : memref<4x32x512xi32, #tpu.memory_space<hbm>> -> memref<1x1x512xi32, #tpu.memory_space<hbm>>
      %dma_wait3A_60 = tpu.memref_squeeze %dma_wait3A_59 : memref<1x1x512xi32, #tpu.memory_space<hbm>> -> memref<512xi32, #tpu.memory_space<hbm>>
      %dma_wait3A_61 = arith.constant 0 : i32
      %dma_wait3A_62 = tpu.memref_slice %arg2[%run_scoped3A_17, %add3A, %dma_wait3A_61] : memref<4x32x512xi32, #tpu.memory_space<hbm>> -> memref<1x1x512xi32, #tpu.memory_space<hbm>>
      %dma_wait3A_63 = tpu.memref_squeeze %dma_wait3A_62 : memref<1x1x512xi32, #tpu.memory_space<hbm>> -> memref<512xi32, #tpu.memory_space<hbm>>
      tpu.wait_dma2 semaphore(%run_scoped3A_52 : memref<!tpu.dma_semaphore, #tpu.memory_space<semaphore_mem>>) src(%dma_wait3A_63 : memref<512xi32, #tpu.memory_space<hbm>>) dst(%arg11 : memref<512xi32, #tpu.memory_space<vmem>>)
      tpu.yield
    }) : () -> ()
    %scan3A_18 = arith.constant 0 : i32
    %scan3A_19 = arith.constant 0 : i32
    %scan3A_20 = arith.constant 32 : i32
    %scan3A_21 = arith.addi %scan3A_19, %scan3A_20 : i32
    %scan3A_22 = arith.constant 1 : i32
    %scan3A_23 = scf.for %scan3A_52 = %scan3A_19 to %scan3A_21 step %scan3A_22 iter_args(%scan3A_53 = %scan3A_18) -> (i32)  : i32 {
      %mul3A_54 = arith.constant 16 : i32
      %mul3A_55 = arith.muli %scan3A_52, %mul3A_54 : i32
      %get3A = arith.index_cast %mul3A_55 : i32 to index
      %get3A_56 = tpu.vector_load %arg11[%get3A] {strides = array<i32>} : memref<512xi32, #tpu.memory_space<vmem>>, vector<16xi32>,
      %get3A_57 = vector.shape_cast %get3A_56 : vector<16xi32> to vector<16xi32>
      %slice3A = vector.extract_strided_slice %get3A_57 {offsets = [0], sizes = [1], strides = [1]} : vector<16xi32> to vector<1xi32>
      %squeeze3A = vector.extract %slice3A[0] : i32 from vector<1xi32>
      %mul3A_58 = arith.constant 16 : i32
      %mul3A_59 = arith.muli %scan3A_52, %mul3A_58 : i32
      %add3A_60 = arith.addi %mul3A_2, %mul3A_59 : i32
      %add3A_61 = arith.constant 0 : i32
      %add3A_62 = arith.addi %add3A_60, %add3A_61 : i32
      %dma_start3A = arith.constant 0 : i32
      %dma_start3A_63 = tpu.memref_slice %arg9[%add3A_62, %dma_start3A] : memref<16384x32xf32, #tpu.memory_space<hbm>> -> memref<1x32xf32, #tpu.memory_space<hbm>>
      %dma_start3A_64 = arith.constant 0 : i32
      %dma_start3A_65 = tpu.memref_slice %arg5[%squeeze3A, %dma_start3A_64] : memref<1000001x32xf32, #tpu.memory_space<hbm>> -> memref<1x32xf32, #tpu.memory_space<hbm>>
      tpu.enqueue_dma source(%dma_start3A_65 : memref<1x32xf32, #tpu.memory_space<hbm>>) target(%dma_start3A_63 : memref<1x32xf32, #tpu.memory_space<hbm>>) target_semaphore(%arg12 : memref<!tpu.dma_semaphore, #tpu.memory_space<semaphore_mem>>)
      %slice3A_66 = vector.extract_strided_slice %get3A_57 {offsets = [1], sizes = [1], strides = [1]} : vector<16xi32> to vector<1xi32>
      %squeeze3A_67 = vector.extract %slice3A_66[0] : i32 from vector<1xi32>
      %mul3A_68 = arith.constant 16 : i32
      %mul3A_69 = arith.muli %scan3A_52, %mul3A_68 : i32
      %add3A_70 = arith.addi %mul3A_2, %mul3A_69 : i32
      %add3A_71 = arith.constant 1 : i32
      %add3A_72 = arith.addi %add3A_70, %add3A_71 : i32
      %dma_start3A_73 = arith.constant 0 : i32
      %dma_start3A_74 = tpu.memref_slice %arg9[%add3A_72, %dma_start3A_73] : memref<16384x32xf32, #tpu.memory_space<hbm>> -> memref<1x32xf32, #tpu.memory_space<hbm>>
      %dma_start3A_75 = arith.constant 0 : i32
      %dma_start3A_76 = tpu.memref_slice %arg5[%squeeze3A_67, %dma_start3A_75] : memref<1000001x32xf32, #tpu.memory_space<hbm>> -> memref<1x32xf32, #tpu.memory_space<hbm>>
      tpu.enqueue_dma source(%dma_start3A_76 : memref<1x32xf32, #tpu.memory_space<hbm>>) target(%dma_start3A_74 : memref<1x32xf32, #tpu.memory_space<hbm>>) target_semaphore(%arg12 : memref<!tpu.dma_semaphore, #tpu.memory_space<semaphore_mem>>)
      %slice3A_77 = vector.extract_strided_slice %get3A_57 {offsets = [2], sizes = [1], strides = [1]} : vector<16xi32> to vector<1xi32>
      %squeeze3A_78 = vector.extract %slice3A_77[0] : i32 from vector<1xi32>
      %mul3A_79 = arith.constant 16 : i32
      %mul3A_80 = arith.muli %scan3A_52, %mul3A_79 : i32
      %add3A_81 = arith.addi %mul3A_2, %mul3A_80 : i32
      %add3A_82 = arith.constant 2 : i32
      %add3A_83 = arith.addi %add3A_81, %add3A_82 : i32
      %dma_start3A_84 = arith.constant 0 : i32
      %dma_start3A_85 = tpu.memref_slice %arg9[%add3A_83, %dma_start3A_84] : memref<16384x32xf32, #tpu.memory_space<hbm>> -> memref<1x32xf32, #tpu.memory_space<hbm>>
      %dma_start3A_86 = arith.constant 0 : i32
      %dma_start3A_87 = tpu.memref_slice %arg5[%squeeze3A_78, %dma_start3A_86] : memref<1000001x32xf32, #tpu.memory_space<hbm>> -> memref<1x32xf32, #tpu.memory_space<hbm>>
      tpu.enqueue_dma source(%dma_start3A_87 : memref<1x32xf32, #tpu.memory_space<hbm>>) target(%dma_start3A_85 : memref<1x32xf32, #tpu.memory_space<hbm>>) target_semaphore(%arg12 : memref<!tpu.dma_semaphore, #tpu.memory_space<semaphore_mem>>)
      %slice3A_88 = vector.extract_strided_slice %get3A_57 {offsets = [3], sizes = [1], strides = [1]} : vector<16xi32> to vector<1xi32>
      %squeeze3A_89 = vector.extract %slice3A_88[0] : i32 from vector<1xi32>
      %mul3A_90 = arith.constant 16 : i32
      %mul3A_91 = arith.muli %scan3A_52, %mul3A_90 : i32
      %add3A_92 = arith.addi %mul3A_2, %mul3A_91 : i32
      %add3A_93 = arith.constant 3 : i32
      %add3A_94 = arith.addi %add3A_92, %add3A_93 : i32
      %dma_start3A_95 = arith.constant 0 : i32
      %dma_start3A_96 = tpu.memref_slice %arg9[%add3A_94, %dma_start3A_95] : memref<16384x32xf32, #tpu.memory_space<hbm>> -> memref<1x32xf32, #tpu.memory_space<hbm>>
      %dma_start3A_97 = arith.constant 0 : i32
      %dma_start3A_98 = tpu.memref_slice %arg5[%squeeze3A_89, %dma_start3A_97] : memref<1000001x32xf32, #tpu.memory_space<hbm>> -> memref<1x32xf32, #tpu.memory_space<hbm>>
      tpu.enqueue_dma source(%dma_start3A_98 : memref<1x32xf32, #tpu.memory_space<hbm>>) target(%dma_start3A_96 : memref<1x32xf32, #tpu.memory_space<hbm>>) target_semaphore(%arg12 : memref<!tpu.dma_semaphore, #tpu.memory_space<semaphore_mem>>)
      %slice3A_99 = vector.extract_strided_slice %get3A_57 {offsets = [4], sizes = [1], strides = [1]} : vector<16xi32> to vector<1xi32>
      %squeeze3A_100 = vector.extract %slice3A_99[0] : i32 from vector<1xi32>
      %mul3A_101 = arith.constant 16 : i32
      %mul3A_102 = arith.muli %scan3A_52, %mul3A_101 : i32
      %add3A_103 = arith.addi %mul3A_2, %mul3A_102 : i32
      %add3A_104 = arith.constant 4 : i32
      %add3A_105 = arith.addi %add3A_103, %add3A_104 : i32
      %dma_start3A_106 = arith.constant 0 : i32
      %dma_start3A_107 = tpu.memref_slice %arg9[%add3A_105, %dma_start3A_106] : memref<16384x32xf32, #tpu.memory_space<hbm>> -> memref<1x32xf32, #tpu.memory_space<hbm>>
      %dma_start3A_108 = arith.constant 0 : i32
      %dma_start3A_109 = tpu.memref_slice %arg5[%squeeze3A_100, %dma_start3A_108] : memref<1000001x32xf32, #tpu.memory_space<hbm>> -> memref<1x32xf32, #tpu.memory_space<hbm>>
      tpu.enqueue_dma source(%dma_start3A_109 : memref<1x32xf32, #tpu.memory_space<hbm>>) target(%dma_start3A_107 : memref<1x32xf32, #tpu.memory_space<hbm>>) target_semaphore(%arg12 : memref<!tpu.dma_semaphore, #tpu.memory_space<semaphore_mem>>)
      %slice3A_110 = vector.extract_strided_slice %get3A_57 {offsets = [5], sizes = [1], strides = [1]} : vector<16xi32> to vector<1xi32>
      %squeeze3A_111 = vector.extract %slice3A_110[0] : i32 from vector<1xi32>
      %mul3A_112 = arith.constant 16 : i32
      %mul3A_113 = arith.muli %scan3A_52, %mul3A_112 : i32
      %add3A_114 = arith.addi %mul3A_2, %mul3A_113 : i32
      %add3A_115 = arith.constant 5 : i32
      %add3A_116 = arith.addi %add3A_114, %add3A_115 : i32
      %dma_start3A_117 = arith.constant 0 : i32
      %dma_start3A_118 = tpu.memref_slice %arg9[%add3A_116, %dma_start3A_117] : memref<16384x32xf32, #tpu.memory_space<hbm>> -> memref<1x32xf32, #tpu.memory_space<hbm>>
      %dma_start3A_119 = arith.constant 0 : i32
      %dma_start3A_120 = tpu.memref_slice %arg5[%squeeze3A_111, %dma_start3A_119] : memref<1000001x32xf32, #tpu.memory_space<hbm>> -> memref<1x32xf32, #tpu.memory_space<hbm>>
      tpu.enqueue_dma source(%dma_start3A_120 : memref<1x32xf32, #tpu.memory_space<hbm>>) target(%dma_start3A_118 : memref<1x32xf32, #tpu.memory_space<hbm>>) target_semaphore(%arg12 : memref<!tpu.dma_semaphore, #tpu.memory_space<semaphore_mem>>)
      %slice3A_121 = vector.extract_strided_slice %get3A_57 {offsets = [6], sizes = [1], strides = [1]} : vector<16xi32> to vector<1xi32>
      %squeeze3A_122 = vector.extract %slice3A_121[0] : i32 from vector<1xi32>
      %mul3A_123 = arith.constant 16 : i32
      %mul3A_124 = arith.muli %scan3A_52, %mul3A_123 : i32
      %add3A_125 = arith.addi %mul3A_2, %mul3A_124 : i32
      %add3A_126 = arith.constant 6 : i32
      %add3A_127 = arith.addi %add3A_125, %add3A_126 : i32
      %dma_start3A_128 = arith.constant 0 : i32
      %dma_start3A_129 = tpu.memref_slice %arg9[%add3A_127, %dma_start3A_128] : memref<16384x32xf32, #tpu.memory_space<hbm>> -> memref<1x32xf32, #tpu.memory_space<hbm>>
      %dma_start3A_130 = arith.constant 0 : i32
      %dma_start3A_131 = tpu.memref_slice %arg5[%squeeze3A_122, %dma_start3A_130] : memref<1000001x32xf32, #tpu.memory_space<hbm>> -> memref<1x32xf32, #tpu.memory_space<hbm>>
      tpu.enqueue_dma source(%dma_start3A_131 : memref<1x32xf32, #tpu.memory_space<hbm>>) target(%dma_start3A_129 : memref<1x32xf32, #tpu.memory_space<hbm>>) target_semaphore(%arg12 : memref<!tpu.dma_semaphore, #tpu.memory_space<semaphore_mem>>)
      %slice3A_132 = vector.extract_strided_slice %get3A_57 {offsets = [7], sizes = [1], strides = [1]} : vector<16xi32> to vector<1xi32>
      %squeeze3A_133 = vector.extract %slice3A_132[0] : i32 from vector<1xi32>
      %mul3A_134 = arith.constant 16 : i32
      %mul3A_135 = arith.muli %scan3A_52, %mul3A_134 : i32
      %add3A_136 = arith.addi %mul3A_2, %mul3A_135 : i32
      %add3A_137 = arith.constant 7 : i32
      %add3A_138 = arith.addi %add3A_136, %add3A_137 : i32
      %dma_start3A_139 = arith.constant 0 : i32
      %dma_start3A_140 = tpu.memref_slice %arg9[%add3A_138, %dma_start3A_139] : memref<16384x32xf32, #tpu.memory_space<hbm>> -> memref<1x32xf32, #tpu.memory_space<hbm>>
      %dma_start3A_141 = arith.constant 0 : i32
      %dma_start3A_142 = tpu.memref_slice %arg5[%squeeze3A_133, %dma_start3A_141] : memref<1000001x32xf32, #tpu.memory_space<hbm>> -> memref<1x32xf32, #tpu.memory_space<hbm>>
      tpu.enqueue_dma source(%dma_start3A_142 : memref<1x32xf32, #tpu.memory_space<hbm>>) target(%dma_start3A_140 : memref<1x32xf32, #tpu.memory_space<hbm>>) target_semaphore(%arg12 : memref<!tpu.dma_semaphore, #tpu.memory_space<semaphore_mem>>)
      %slice3A_143 = vector.extract_strided_slice %get3A_57 {offsets = [8], sizes = [1], strides = [1]} : vector<16xi32> to vector<1xi32>
      %squeeze3A_144 = vector.extract %slice3A_143[0] : i32 from vector<1xi32>
      %mul3A_145 = arith.constant 16 : i32
      %mul3A_146 = arith.muli %scan3A_52, %mul3A_145 : i32
      %add3A_147 = arith.addi %mul3A_2, %mul3A_146 : i32
      %add3A_148 = arith.constant 8 : i32
      %add3A_149 = arith.addi %add3A_147, %add3A_148 : i32
      %dma_start3A_150 = arith.constant 0 : i32
      %dma_start3A_151 = tpu.memref_slice %arg9[%add3A_149, %dma_start3A_150] : memref<16384x32xf32, #tpu.memory_space<hbm>> -> memref<1x32xf32, #tpu.memory_space<hbm>>
      %dma_start3A_152 = arith.constant 0 : i32
      %dma_start3A_153 = tpu.memref_slice %arg5[%squeeze3A_144, %dma_start3A_152] : memref<1000001x32xf32, #tpu.memory_space<hbm>> -> memref<1x32xf32, #tpu.memory_space<hbm>>
      tpu.enqueue_dma source(%dma_start3A_153 : memref<1x32xf32, #tpu.memory_space<hbm>>) target(%dma_start3A_151 : memref<1x32xf32, #tpu.memory_space<hbm>>) target_semaphore(%arg12 : memref<!tpu.dma_semaphore, #tpu.memory_space<semaphore_mem>>)
      %slice3A_154 = vector.extract_strided_slice %get3A_57 {offsets = [9], sizes = [1], strides = [1]} : vector<16xi32> to vector<1xi32>
      %squeeze3A_155 = vector.extract %slice3A_154[0] : i32 from vector<1xi32>
      %mul3A_156 = arith.constant 16 : i32
      %mul3A_157 = arith.muli %scan3A_52, %mul3A_156 : i32
      %add3A_158 = arith.addi %mul3A_2, %mul3A_157 : i32
      %add3A_159 = arith.constant 9 : i32
      %add3A_160 = arith.addi %add3A_158, %add3A_159 : i32
      %dma_start3A_161 = arith.constant 0 : i32
      %dma_start3A_162 = tpu.memref_slice %arg9[%add3A_160, %dma_start3A_161] : memref<16384x32xf32, #tpu.memory_space<hbm>> -> memref<1x32xf32, #tpu.memory_space<hbm>>
      %dma_start3A_163 = arith.constant 0 : i32
      %dma_start3A_164 = tpu.memref_slice %arg5[%squeeze3A_155, %dma_start3A_163] : memref<1000001x32xf32, #tpu.memory_space<hbm>> -> memref<1x32xf32, #tpu.memory_space<hbm>>
      tpu.enqueue_dma source(%dma_start3A_164 : memref<1x32xf32, #tpu.memory_space<hbm>>) target(%dma_start3A_162 : memref<1x32xf32, #tpu.memory_space<hbm>>) target_semaphore(%arg12 : memref<!tpu.dma_semaphore, #tpu.memory_space<semaphore_mem>>)
      %slice3A_165 = vector.extract_strided_slice %get3A_57 {offsets = [10], sizes = [1], strides = [1]} : vector<16xi32> to vector<1xi32>
      %squeeze3A_166 = vector.extract %slice3A_165[0] : i32 from vector<1xi32>
      %mul3A_167 = arith.constant 16 : i32
      %mul3A_168 = arith.muli %scan3A_52, %mul3A_167 : i32
      %add3A_169 = arith.addi %mul3A_2, %mul3A_168 : i32
      %add3A_170 = arith.constant 10 : i32
      %add3A_171 = arith.addi %add3A_169, %add3A_170 : i32
      %dma_start3A_172 = arith.constant 0 : i32
      %dma_start3A_173 = tpu.memref_slice %arg9[%add3A_171, %dma_start3A_172] : memref<16384x32xf32, #tpu.memory_space<hbm>> -> memref<1x32xf32, #tpu.memory_space<hbm>>
      %dma_start3A_174 = arith.constant 0 : i32
      %dma_start3A_175 = tpu.memref_slice %arg5[%squeeze3A_166, %dma_start3A_174] : memref<1000001x32xf32, #tpu.memory_space<hbm>> -> memref<1x32xf32, #tpu.memory_space<hbm>>
      tpu.enqueue_dma source(%dma_start3A_175 : memref<1x32xf32, #tpu.memory_space<hbm>>) target(%dma_start3A_173 : memref<1x32xf32, #tpu.memory_space<hbm>>) target_semaphore(%arg12 : memref<!tpu.dma_semaphore, #tpu.memory_space<semaphore_mem>>)
      %slice3A_176 = vector.extract_strided_slice %get3A_57 {offsets = [11], sizes = [1], strides = [1]} : vector<16xi32> to vector<1xi32>
      %squeeze3A_177 = vector.extract %slice3A_176[0] : i32 from vector<1xi32>
      %mul3A_178 = arith.constant 16 : i32
      %mul3A_179 = arith.muli %scan3A_52, %mul3A_178 : i32
      %add3A_180 = arith.addi %mul3A_2, %mul3A_179 : i32
      %add3A_181 = arith.constant 11 : i32
      %add3A_182 = arith.addi %add3A_180, %add3A_181 : i32
      %dma_start3A_183 = arith.constant 0 : i32
      %dma_start3A_184 = tpu.memref_slice %arg9[%add3A_182, %dma_start3A_183] : memref<16384x32xf32, #tpu.memory_space<hbm>> -> memref<1x32xf32, #tpu.memory_space<hbm>>
      %dma_start3A_185 = arith.constant 0 : i32
      %dma_start3A_186 = tpu.memref_slice %arg5[%squeeze3A_177, %dma_start3A_185] : memref<1000001x32xf32, #tpu.memory_space<hbm>> -> memref<1x32xf32, #tpu.memory_space<hbm>>
      tpu.enqueue_dma source(%dma_start3A_186 : memref<1x32xf32, #tpu.memory_space<hbm>>) target(%dma_start3A_184 : memref<1x32xf32, #tpu.memory_space<hbm>>) target_semaphore(%arg12 : memref<!tpu.dma_semaphore, #tpu.memory_space<semaphore_mem>>)
      %slice3A_187 = vector.extract_strided_slice %get3A_57 {offsets = [12], sizes = [1], strides = [1]} : vector<16xi32> to vector<1xi32>
      %squeeze3A_188 = vector.extract %slice3A_187[0] : i32 from vector<1xi32>
      %mul3A_189 = arith.constant 16 : i32
      %mul3A_190 = arith.muli %scan3A_52, %mul3A_189 : i32
      %add3A_191 = arith.addi %mul3A_2, %mul3A_190 : i32
      %add3A_192 = arith.constant 12 : i32
      %add3A_193 = arith.addi %add3A_191, %add3A_192 : i32
      %dma_start3A_194 = arith.constant 0 : i32
      %dma_start3A_195 = tpu.memref_slice %arg9[%add3A_193, %dma_start3A_194] : memref<16384x32xf32, #tpu.memory_space<hbm>> -> memref<1x32xf32, #tpu.memory_space<hbm>>
      %dma_start3A_196 = arith.constant 0 : i32
      %dma_start3A_197 = tpu.memref_slice %arg5[%squeeze3A_188, %dma_start3A_196] : memref<1000001x32xf32, #tpu.memory_space<hbm>> -> memref<1x32xf32, #tpu.memory_space<hbm>>
      tpu.enqueue_dma source(%dma_start3A_197 : memref<1x32xf32, #tpu.memory_space<hbm>>) target(%dma_start3A_195 : memref<1x32xf32, #tpu.memory_space<hbm>>) target_semaphore(%arg12 : memref<!tpu.dma_semaphore, #tpu.memory_space<semaphore_mem>>)
      %slice3A_198 = vector.extract_strided_slice %get3A_57 {offsets = [13], sizes = [1], strides = [1]} : vector<16xi32> to vector<1xi32>
      %squeeze3A_199 = vector.extract %slice3A_198[0] : i32 from vector<1xi32>
      %mul3A_200 = arith.constant 16 : i32
      %mul3A_201 = arith.muli %scan3A_52, %mul3A_200 : i32
      %add3A_202 = arith.addi %mul3A_2, %mul3A_201 : i32
      %add3A_203 = arith.constant 13 : i32
      %add3A_204 = arith.addi %add3A_202, %add3A_203 : i32
      %dma_start3A_205 = arith.constant 0 : i32
      %dma_start3A_206 = tpu.memref_slice %arg9[%add3A_204, %dma_start3A_205] : memref<16384x32xf32, #tpu.memory_space<hbm>> -> memref<1x32xf32, #tpu.memory_space<hbm>>
      %dma_start3A_207 = arith.constant 0 : i32
      %dma_start3A_208 = tpu.memref_slice %arg5[%squeeze3A_199, %dma_start3A_207] : memref<1000001x32xf32, #tpu.memory_space<hbm>> -> memref<1x32xf32, #tpu.memory_space<hbm>>
      tpu.enqueue_dma source(%dma_start3A_208 : memref<1x32xf32, #tpu.memory_space<hbm>>) target(%dma_start3A_206 : memref<1x32xf32, #tpu.memory_space<hbm>>) target_semaphore(%arg12 : memref<!tpu.dma_semaphore, #tpu.memory_space<semaphore_mem>>)
      %slice3A_209 = vector.extract_strided_slice %get3A_57 {offsets = [14], sizes = [1], strides = [1]} : vector<16xi32> to vector<1xi32>
      %squeeze3A_210 = vector.extract %slice3A_209[0] : i32 from vector<1xi32>
      %mul3A_211 = arith.constant 16 : i32
      %mul3A_212 = arith.muli %scan3A_52, %mul3A_211 : i32
      %add3A_213 = arith.addi %mul3A_2, %mul3A_212 : i32
      %add3A_214 = arith.constant 14 : i32
      %add3A_215 = arith.addi %add3A_213, %add3A_214 : i32
      %dma_start3A_216 = arith.constant 0 : i32
      %dma_start3A_217 = tpu.memref_slice %arg9[%add3A_215, %dma_start3A_216] : memref<16384x32xf32, #tpu.memory_space<hbm>> -> memref<1x32xf32, #tpu.memory_space<hbm>>
      %dma_start3A_218 = arith.constant 0 : i32
      %dma_start3A_219 = tpu.memref_slice %arg5[%squeeze3A_210, %dma_start3A_218] : memref<1000001x32xf32, #tpu.memory_space<hbm>> -> memref<1x32xf32, #tpu.memory_space<hbm>>
      tpu.enqueue_dma source(%dma_start3A_219 : memref<1x32xf32, #tpu.memory_space<hbm>>) target(%dma_start3A_217 : memref<1x32xf32, #tpu.memory_space<hbm>>) target_semaphore(%arg12 : memref<!tpu.dma_semaphore, #tpu.memory_space<semaphore_mem>>)
      %slice3A_220 = vector.extract_strided_slice %get3A_57 {offsets = [15], sizes = [1], strides = [1]} : vector<16xi32> to vector<1xi32>
      %squeeze3A_221 = vector.extract %slice3A_220[0] : i32 from vector<1xi32>
      %mul3A_222 = arith.constant 16 : i32
      %mul3A_223 = arith.muli %scan3A_52, %mul3A_222 : i32
      %add3A_224 = arith.addi %mul3A_2, %mul3A_223 : i32
      %add3A_225 = arith.constant 15 : i32
      %add3A_226 = arith.addi %add3A_224, %add3A_225 : i32
      %dma_start3A_227 = arith.constant 0 : i32
      %dma_start3A_228 = tpu.memref_slice %arg9[%add3A_226, %dma_start3A_227] : memref<16384x32xf32, #tpu.memory_space<hbm>> -> memref<1x32xf32, #tpu.memory_space<hbm>>
      %dma_start3A_229 = arith.constant 0 : i32
      %dma_start3A_230 = tpu.memref_slice %arg5[%squeeze3A_221, %dma_start3A_229] : memref<1000001x32xf32, #tpu.memory_space<hbm>> -> memref<1x32xf32, #tpu.memory_space<hbm>>
      tpu.enqueue_dma source(%dma_start3A_230 : memref<1x32xf32, #tpu.memory_space<hbm>>) target(%dma_start3A_228 : memref<1x32xf32, #tpu.memory_space<hbm>>) target_semaphore(%arg12 : memref<!tpu.dma_semaphore, #tpu.memory_space<semaphore_mem>>)
      %scan3A_231 = arith.constant 0 : i32
      scf.yield %scan3A_231 : i32
    }
    %scan3A_24 = arith.constant 32 : i32
    %run_scoped3A_25 = arith.constant 3 : i32
    "tpu.region"() ({
      %run_scoped3A_52 = tpu.sem_alloc : memref<!tpu.dma_semaphore, #tpu.memory_space<semaphore_mem>>
      %dma_start3A = arith.constant 0 : i32
      %dma_start3A_53 = tpu.memref_slice %arg2[%run_scoped3A_25, %add3A, %dma_start3A] : memref<4x32x512xi32, #tpu.memory_space<hbm>> -> memref<1x1x512xi32, #tpu.memory_space<hbm>>
      %dma_start3A_54 = tpu.memref_squeeze %dma_start3A_53 : memref<1x1x512xi32, #tpu.memory_space<hbm>> -> memref<512xi32, #tpu.memory_space<hbm>>
      %dma_start3A_55 = arith.constant 0 : i32
      %dma_start3A_56 = tpu.memref_slice %arg2[%run_scoped3A_25, %add3A, %dma_start3A_55] : memref<4x32x512xi32, #tpu.memory_space<hbm>> -> memref<1x1x512xi32, #tpu.memory_space<hbm>>
      %dma_start3A_57 = tpu.memref_squeeze %dma_start3A_56 : memref<1x1x512xi32, #tpu.memory_space<hbm>> -> memref<512xi32, #tpu.memory_space<hbm>>
      tpu.enqueue_dma source(%dma_start3A_57 : memref<512xi32, #tpu.memory_space<hbm>>) target(%arg11 : memref<512xi32, #tpu.memory_space<vmem>>) target_semaphore(%run_scoped3A_52 : memref<!tpu.dma_semaphore, #tpu.memory_space<semaphore_mem>>)
      %dma_wait3A_58 = arith.constant 0 : i32
      %dma_wait3A_59 = tpu.memref_slice %arg2[%run_scoped3A_25, %add3A, %dma_wait3A_58] : memref<4x32x512xi32, #tpu.memory_space<hbm>> -> memref<1x1x512xi32, #tpu.memory_space<hbm>>
      %dma_wait3A_60 = tpu.memref_squeeze %dma_wait3A_59 : memref<1x1x512xi32, #tpu.memory_space<hbm>> -> memref<512xi32, #tpu.memory_space<hbm>>
      %dma_wait3A_61 = arith.constant 0 : i32
      %dma_wait3A_62 = tpu.memref_slice %arg2[%run_scoped3A_25, %add3A, %dma_wait3A_61] : memref<4x32x512xi32, #tpu.memory_space<hbm>> -> memref<1x1x512xi32, #tpu.memory_space<hbm>>
      %dma_wait3A_63 = tpu.memref_squeeze %dma_wait3A_62 : memref<1x1x512xi32, #tpu.memory_space<hbm>> -> memref<512xi32, #tpu.memory_space<hbm>>
      tpu.wait_dma2 semaphore(%run_scoped3A_52 : memref<!tpu.dma_semaphore, #tpu.memory_space<semaphore_mem>>) src(%dma_wait3A_63 : memref<512xi32, #tpu.memory_space<hbm>>) dst(%arg11 : memref<512xi32, #tpu.memory_space<vmem>>)
      tpu.yield
    }) : () -> ()
    %scan3A_26 = arith.constant 0 : i32
    %scan3A_27 = arith.constant 0 : i32
    %scan3A_28 = arith.constant 32 : i32
    %scan3A_29 = arith.addi %scan3A_27, %scan3A_28 : i32
    %scan3A_30 = arith.constant 1 : i32
    %scan3A_31 = scf.for %scan3A_52 = %scan3A_27 to %scan3A_29 step %scan3A_30 iter_args(%scan3A_53 = %scan3A_26) -> (i32)  : i32 {
      %mul3A_54 = arith.constant 16 : i32
      %mul3A_55 = arith.muli %scan3A_52, %mul3A_54 : i32
      %get3A = arith.index_cast %mul3A_55 : i32 to index
      %get3A_56 = tpu.vector_load %arg11[%get3A] {strides = array<i32>} : memref<512xi32, #tpu.memory_space<vmem>>, vector<16xi32>,
      %get3A_57 = vector.shape_cast %get3A_56 : vector<16xi32> to vector<16xi32>
      %slice3A = vector.extract_strided_slice %get3A_57 {offsets = [0], sizes = [1], strides = [1]} : vector<16xi32> to vector<1xi32>
      %squeeze3A = vector.extract %slice3A[0] : i32 from vector<1xi32>
      %mul3A_58 = arith.constant 16 : i32
      %mul3A_59 = arith.muli %scan3A_52, %mul3A_58 : i32
      %add3A_60 = arith.addi %mul3A_2, %mul3A_59 : i32
      %add3A_61 = arith.constant 0 : i32
      %add3A_62 = arith.addi %add3A_60, %add3A_61 : i32
      %dma_start3A = arith.constant 0 : i32
      %dma_start3A_63 = tpu.memref_slice %arg10[%add3A_62, %dma_start3A] : memref<16384x32xf32, #tpu.memory_space<hbm>> -> memref<1x32xf32, #tpu.memory_space<hbm>>
      %dma_start3A_64 = arith.constant 0 : i32
      %dma_start3A_65 = tpu.memref_slice %arg6[%squeeze3A, %dma_start3A_64] : memref<1000001x32xf32, #tpu.memory_space<hbm>> -> memref<1x32xf32, #tpu.memory_space<hbm>>
      tpu.enqueue_dma source(%dma_start3A_65 : memref<1x32xf32, #tpu.memory_space<hbm>>) target(%dma_start3A_63 : memref<1x32xf32, #tpu.memory_space<hbm>>) target_semaphore(%arg12 : memref<!tpu.dma_semaphore, #tpu.memory_space<semaphore_mem>>)
      %slice3A_66 = vector.extract_strided_slice %get3A_57 {offsets = [1], sizes = [1], strides = [1]} : vector<16xi32> to vector<1xi32>
      %squeeze3A_67 = vector.extract %slice3A_66[0] : i32 from vector<1xi32>
      %mul3A_68 = arith.constant 16 : i32
      %mul3A_69 = arith.muli %scan3A_52, %mul3A_68 : i32
      %add3A_70 = arith.addi %mul3A_2, %mul3A_69 : i32
      %add3A_71 = arith.constant 1 : i32
      %add3A_72 = arith.addi %add3A_70, %add3A_71 : i32
      %dma_start3A_73 = arith.constant 0 : i32
      %dma_start3A_74 = tpu.memref_slice %arg10[%add3A_72, %dma_start3A_73] : memref<16384x32xf32, #tpu.memory_space<hbm>> -> memref<1x32xf32, #tpu.memory_space<hbm>>
      %dma_start3A_75 = arith.constant 0 : i32
      %dma_start3A_76 = tpu.memref_slice %arg6[%squeeze3A_67, %dma_start3A_75] : memref<1000001x32xf32, #tpu.memory_space<hbm>> -> memref<1x32xf32, #tpu.memory_space<hbm>>
      tpu.enqueue_dma source(%dma_start3A_76 : memref<1x32xf32, #tpu.memory_space<hbm>>) target(%dma_start3A_74 : memref<1x32xf32, #tpu.memory_space<hbm>>) target_semaphore(%arg12 : memref<!tpu.dma_semaphore, #tpu.memory_space<semaphore_mem>>)
      %slice3A_77 = vector.extract_strided_slice %get3A_57 {offsets = [2], sizes = [1], strides = [1]} : vector<16xi32> to vector<1xi32>
      %squeeze3A_78 = vector.extract %slice3A_77[0] : i32 from vector<1xi32>
      %mul3A_79 = arith.constant 16 : i32
      %mul3A_80 = arith.muli %scan3A_52, %mul3A_79 : i32
      %add3A_81 = arith.addi %mul3A_2, %mul3A_80 : i32
      %add3A_82 = arith.constant 2 : i32
      %add3A_83 = arith.addi %add3A_81, %add3A_82 : i32
      %dma_start3A_84 = arith.constant 0 : i32
      %dma_start3A_85 = tpu.memref_slice %arg10[%add3A_83, %dma_start3A_84] : memref<16384x32xf32, #tpu.memory_space<hbm>> -> memref<1x32xf32, #tpu.memory_space<hbm>>
      %dma_start3A_86 = arith.constant 0 : i32
      %dma_start3A_87 = tpu.memref_slice %arg6[%squeeze3A_78, %dma_start3A_86] : memref<1000001x32xf32, #tpu.memory_space<hbm>> -> memref<1x32xf32, #tpu.memory_space<hbm>>
      tpu.enqueue_dma source(%dma_start3A_87 : memref<1x32xf32, #tpu.memory_space<hbm>>) target(%dma_start3A_85 : memref<1x32xf32, #tpu.memory_space<hbm>>) target_semaphore(%arg12 : memref<!tpu.dma_semaphore, #tpu.memory_space<semaphore_mem>>)
      %slice3A_88 = vector.extract_strided_slice %get3A_57 {offsets = [3], sizes = [1], strides = [1]} : vector<16xi32> to vector<1xi32>
      %squeeze3A_89 = vector.extract %slice3A_88[0] : i32 from vector<1xi32>
      %mul3A_90 = arith.constant 16 : i32
      %mul3A_91 = arith.muli %scan3A_52, %mul3A_90 : i32
      %add3A_92 = arith.addi %mul3A_2, %mul3A_91 : i32
      %add3A_93 = arith.constant 3 : i32
      %add3A_94 = arith.addi %add3A_92, %add3A_93 : i32
      %dma_start3A_95 = arith.constant 0 : i32
      %dma_start3A_96 = tpu.memref_slice %arg10[%add3A_94, %dma_start3A_95] : memref<16384x32xf32, #tpu.memory_space<hbm>> -> memref<1x32xf32, #tpu.memory_space<hbm>>
      %dma_start3A_97 = arith.constant 0 : i32
      %dma_start3A_98 = tpu.memref_slice %arg6[%squeeze3A_89, %dma_start3A_97] : memref<1000001x32xf32, #tpu.memory_space<hbm>> -> memref<1x32xf32, #tpu.memory_space<hbm>>
      tpu.enqueue_dma source(%dma_start3A_98 : memref<1x32xf32, #tpu.memory_space<hbm>>) target(%dma_start3A_96 : memref<1x32xf32, #tpu.memory_space<hbm>>) target_semaphore(%arg12 : memref<!tpu.dma_semaphore, #tpu.memory_space<semaphore_mem>>)
      %slice3A_99 = vector.extract_strided_slice %get3A_57 {offsets = [4], sizes = [1], strides = [1]} : vector<16xi32> to vector<1xi32>
      %squeeze3A_100 = vector.extract %slice3A_99[0] : i32 from vector<1xi32>
      %mul3A_101 = arith.constant 16 : i32
      %mul3A_102 = arith.muli %scan3A_52, %mul3A_101 : i32
      %add3A_103 = arith.addi %mul3A_2, %mul3A_102 : i32
      %add3A_104 = arith.constant 4 : i32
      %add3A_105 = arith.addi %add3A_103, %add3A_104 : i32
      %dma_start3A_106 = arith.constant 0 : i32
      %dma_start3A_107 = tpu.memref_slice %arg10[%add3A_105, %dma_start3A_106] : memref<16384x32xf32, #tpu.memory_space<hbm>> -> memref<1x32xf32, #tpu.memory_space<hbm>>
      %dma_start3A_108 = arith.constant 0 : i32
      %dma_start3A_109 = tpu.memref_slice %arg6[%squeeze3A_100, %dma_start3A_108] : memref<1000001x32xf32, #tpu.memory_space<hbm>> -> memref<1x32xf32, #tpu.memory_space<hbm>>
      tpu.enqueue_dma source(%dma_start3A_109 : memref<1x32xf32, #tpu.memory_space<hbm>>) target(%dma_start3A_107 : memref<1x32xf32, #tpu.memory_space<hbm>>) target_semaphore(%arg12 : memref<!tpu.dma_semaphore, #tpu.memory_space<semaphore_mem>>)
      %slice3A_110 = vector.extract_strided_slice %get3A_57 {offsets = [5], sizes = [1], strides = [1]} : vector<16xi32> to vector<1xi32>
      %squeeze3A_111 = vector.extract %slice3A_110[0] : i32 from vector<1xi32>
      %mul3A_112 = arith.constant 16 : i32
      %mul3A_113 = arith.muli %scan3A_52, %mul3A_112 : i32
      %add3A_114 = arith.addi %mul3A_2, %mul3A_113 : i32
      %add3A_115 = arith.constant 5 : i32
      %add3A_116 = arith.addi %add3A_114, %add3A_115 : i32
      %dma_start3A_117 = arith.constant 0 : i32
      %dma_start3A_118 = tpu.memref_slice %arg10[%add3A_116, %dma_start3A_117] : memref<16384x32xf32, #tpu.memory_space<hbm>> -> memref<1x32xf32, #tpu.memory_space<hbm>>
      %dma_start3A_119 = arith.constant 0 : i32
      %dma_start3A_120 = tpu.memref_slice %arg6[%squeeze3A_111, %dma_start3A_119] : memref<1000001x32xf32, #tpu.memory_space<hbm>> -> memref<1x32xf32, #tpu.memory_space<hbm>>
      tpu.enqueue_dma source(%dma_start3A_120 : memref<1x32xf32, #tpu.memory_space<hbm>>) target(%dma_start3A_118 : memref<1x32xf32, #tpu.memory_space<hbm>>) target_semaphore(%arg12 : memref<!tpu.dma_semaphore, #tpu.memory_space<semaphore_mem>>)
      %slice3A_121 = vector.extract_strided_slice %get3A_57 {offsets = [6], sizes = [1], strides = [1]} : vector<16xi32> to vector<1xi32>
      %squeeze3A_122 = vector.extract %slice3A_121[0] : i32 from vector<1xi32>
      %mul3A_123 = arith.constant 16 : i32
      %mul3A_124 = arith.muli %scan3A_52, %mul3A_123 : i32
      %add3A_125 = arith.addi %mul3A_2, %mul3A_124 : i32
      %add3A_126 = arith.constant 6 : i32
      %add3A_127 = arith.addi %add3A_125, %add3A_126 : i32
      %dma_start3A_128 = arith.constant 0 : i32
      %dma_start3A_129 = tpu.memref_slice %arg10[%add3A_127, %dma_start3A_128] : memref<16384x32xf32, #tpu.memory_space<hbm>> -> memref<1x32xf32, #tpu.memory_space<hbm>>
      %dma_start3A_130 = arith.constant 0 : i32
      %dma_start3A_131 = tpu.memref_slice %arg6[%squeeze3A_122, %dma_start3A_130] : memref<1000001x32xf32, #tpu.memory_space<hbm>> -> memref<1x32xf32, #tpu.memory_space<hbm>>
      tpu.enqueue_dma source(%dma_start3A_131 : memref<1x32xf32, #tpu.memory_space<hbm>>) target(%dma_start3A_129 : memref<1x32xf32, #tpu.memory_space<hbm>>) target_semaphore(%arg12 : memref<!tpu.dma_semaphore, #tpu.memory_space<semaphore_mem>>)
      %slice3A_132 = vector.extract_strided_slice %get3A_57 {offsets = [7], sizes = [1], strides = [1]} : vector<16xi32> to vector<1xi32>
      %squeeze3A_133 = vector.extract %slice3A_132[0] : i32 from vector<1xi32>
      %mul3A_134 = arith.constant 16 : i32
      %mul3A_135 = arith.muli %scan3A_52, %mul3A_134 : i32
      %add3A_136 = arith.addi %mul3A_2, %mul3A_135 : i32
      %add3A_137 = arith.constant 7 : i32
      %add3A_138 = arith.addi %add3A_136, %add3A_137 : i32
      %dma_start3A_139 = arith.constant 0 : i32
      %dma_start3A_140 = tpu.memref_slice %arg10[%add3A_138, %dma_start3A_139] : memref<16384x32xf32, #tpu.memory_space<hbm>> -> memref<1x32xf32, #tpu.memory_space<hbm>>
      %dma_start3A_141 = arith.constant 0 : i32
      %dma_start3A_142 = tpu.memref_slice %arg6[%squeeze3A_133, %dma_start3A_141] : memref<1000001x32xf32, #tpu.memory_space<hbm>> -> memref<1x32xf32, #tpu.memory_space<hbm>>
      tpu.enqueue_dma source(%dma_start3A_142 : memref<1x32xf32, #tpu.memory_space<hbm>>) target(%dma_start3A_140 : memref<1x32xf32, #tpu.memory_space<hbm>>) target_semaphore(%arg12 : memref<!tpu.dma_semaphore, #tpu.memory_space<semaphore_mem>>)
      %slice3A_143 = vector.extract_strided_slice %get3A_57 {offsets = [8], sizes = [1], strides = [1]} : vector<16xi32> to vector<1xi32>
      %squeeze3A_144 = vector.extract %slice3A_143[0] : i32 from vector<1xi32>
      %mul3A_145 = arith.constant 16 : i32
      %mul3A_146 = arith.muli %scan3A_52, %mul3A_145 : i32
      %add3A_147 = arith.addi %mul3A_2, %mul3A_146 : i32
      %add3A_148 = arith.constant 8 : i32
      %add3A_149 = arith.addi %add3A_147, %add3A_148 : i32
      %dma_start3A_150 = arith.constant 0 : i32
      %dma_start3A_151 = tpu.memref_slice %arg10[%add3A_149, %dma_start3A_150] : memref<16384x32xf32, #tpu.memory_space<hbm>> -> memref<1x32xf32, #tpu.memory_space<hbm>>
      %dma_start3A_152 = arith.constant 0 : i32
      %dma_start3A_153 = tpu.memref_slice %arg6[%squeeze3A_144, %dma_start3A_152] : memref<1000001x32xf32, #tpu.memory_space<hbm>> -> memref<1x32xf32, #tpu.memory_space<hbm>>
      tpu.enqueue_dma source(%dma_start3A_153 : memref<1x32xf32, #tpu.memory_space<hbm>>) target(%dma_start3A_151 : memref<1x32xf32, #tpu.memory_space<hbm>>) target_semaphore(%arg12 : memref<!tpu.dma_semaphore, #tpu.memory_space<semaphore_mem>>)
      %slice3A_154 = vector.extract_strided_slice %get3A_57 {offsets = [9], sizes = [1], strides = [1]} : vector<16xi32> to vector<1xi32>
      %squeeze3A_155 = vector.extract %slice3A_154[0] : i32 from vector<1xi32>
      %mul3A_156 = arith.constant 16 : i32
      %mul3A_157 = arith.muli %scan3A_52, %mul3A_156 : i32
      %add3A_158 = arith.addi %mul3A_2, %mul3A_157 : i32
      %add3A_159 = arith.constant 9 : i32
      %add3A_160 = arith.addi %add3A_158, %add3A_159 : i32
      %dma_start3A_161 = arith.constant 0 : i32
      %dma_start3A_162 = tpu.memref_slice %arg10[%add3A_160, %dma_start3A_161] : memref<16384x32xf32, #tpu.memory_space<hbm>> -> memref<1x32xf32, #tpu.memory_space<hbm>>
      %dma_start3A_163 = arith.constant 0 : i32
      %dma_start3A_164 = tpu.memref_slice %arg6[%squeeze3A_155, %dma_start3A_163] : memref<1000001x32xf32, #tpu.memory_space<hbm>> -> memref<1x32xf32, #tpu.memory_space<hbm>>
      tpu.enqueue_dma source(%dma_start3A_164 : memref<1x32xf32, #tpu.memory_space<hbm>>) target(%dma_start3A_162 : memref<1x32xf32, #tpu.memory_space<hbm>>) target_semaphore(%arg12 : memref<!tpu.dma_semaphore, #tpu.memory_space<semaphore_mem>>)
      %slice3A_165 = vector.extract_strided_slice %get3A_57 {offsets = [10], sizes = [1], strides = [1]} : vector<16xi32> to vector<1xi32>
      %squeeze3A_166 = vector.extract %slice3A_165[0] : i32 from vector<1xi32>
      %mul3A_167 = arith.constant 16 : i32
      %mul3A_168 = arith.muli %scan3A_52, %mul3A_167 : i32
      %add3A_169 = arith.addi %mul3A_2, %mul3A_168 : i32
      %add3A_170 = arith.constant 10 : i32
      %add3A_171 = arith.addi %add3A_169, %add3A_170 : i32
      %dma_start3A_172 = arith.constant 0 : i32
      %dma_start3A_173 = tpu.memref_slice %arg10[%add3A_171, %dma_start3A_172] : memref<16384x32xf32, #tpu.memory_space<hbm>> -> memref<1x32xf32, #tpu.memory_space<hbm>>
      %dma_start3A_174 = arith.constant 0 : i32
      %dma_start3A_175 = tpu.memref_slice %arg6[%squeeze3A_166, %dma_start3A_174] : memref<1000001x32xf32, #tpu.memory_space<hbm>> -> memref<1x32xf32, #tpu.memory_space<hbm>>
      tpu.enqueue_dma source(%dma_start3A_175 : memref<1x32xf32, #tpu.memory_space<hbm>>) target(%dma_start3A_173 : memref<1x32xf32, #tpu.memory_space<hbm>>) target_semaphore(%arg12 : memref<!tpu.dma_semaphore, #tpu.memory_space<semaphore_mem>>)
      %slice3A_176 = vector.extract_strided_slice %get3A_57 {offsets = [11], sizes = [1], strides = [1]} : vector<16xi32> to vector<1xi32>
      %squeeze3A_177 = vector.extract %slice3A_176[0] : i32 from vector<1xi32>
      %mul3A_178 = arith.constant 16 : i32
      %mul3A_179 = arith.muli %scan3A_52, %mul3A_178 : i32
      %add3A_180 = arith.addi %mul3A_2, %mul3A_179 : i32
      %add3A_181 = arith.constant 11 : i32
      %add3A_182 = arith.addi %add3A_180, %add3A_181 : i32
      %dma_start3A_183 = arith.constant 0 : i32
      %dma_start3A_184 = tpu.memref_slice %arg10[%add3A_182, %dma_start3A_183] : memref<16384x32xf32, #tpu.memory_space<hbm>> -> memref<1x32xf32, #tpu.memory_space<hbm>>
      %dma_start3A_185 = arith.constant 0 : i32
      %dma_start3A_186 = tpu.memref_slice %arg6[%squeeze3A_177, %dma_start3A_185] : memref<1000001x32xf32, #tpu.memory_space<hbm>> -> memref<1x32xf32, #tpu.memory_space<hbm>>
      tpu.enqueue_dma source(%dma_start3A_186 : memref<1x32xf32, #tpu.memory_space<hbm>>) target(%dma_start3A_184 : memref<1x32xf32, #tpu.memory_space<hbm>>) target_semaphore(%arg12 : memref<!tpu.dma_semaphore, #tpu.memory_space<semaphore_mem>>)
      %slice3A_187 = vector.extract_strided_slice %get3A_57 {offsets = [12], sizes = [1], strides = [1]} : vector<16xi32> to vector<1xi32>
      %squeeze3A_188 = vector.extract %slice3A_187[0] : i32 from vector<1xi32>
      %mul3A_189 = arith.constant 16 : i32
      %mul3A_190 = arith.muli %scan3A_52, %mul3A_189 : i32
      %add3A_191 = arith.addi %mul3A_2, %mul3A_190 : i32
      %add3A_192 = arith.constant 12 : i32
      %add3A_193 = arith.addi %add3A_191, %add3A_192 : i32
      %dma_start3A_194 = arith.constant 0 : i32
      %dma_start3A_195 = tpu.memref_slice %arg10[%add3A_193, %dma_start3A_194] : memref<16384x32xf32, #tpu.memory_space<hbm>> -> memref<1x32xf32, #tpu.memory_space<hbm>>
      %dma_start3A_196 = arith.constant 0 : i32
      %dma_start3A_197 = tpu.memref_slice %arg6[%squeeze3A_188, %dma_start3A_196] : memref<1000001x32xf32, #tpu.memory_space<hbm>> -> memref<1x32xf32, #tpu.memory_space<hbm>>
      tpu.enqueue_dma source(%dma_start3A_197 : memref<1x32xf32, #tpu.memory_space<hbm>>) target(%dma_start3A_195 : memref<1x32xf32, #tpu.memory_space<hbm>>) target_semaphore(%arg12 : memref<!tpu.dma_semaphore, #tpu.memory_space<semaphore_mem>>)
      %slice3A_198 = vector.extract_strided_slice %get3A_57 {offsets = [13], sizes = [1], strides = [1]} : vector<16xi32> to vector<1xi32>
      %squeeze3A_199 = vector.extract %slice3A_198[0] : i32 from vector<1xi32>
      %mul3A_200 = arith.constant 16 : i32
      %mul3A_201 = arith.muli %scan3A_52, %mul3A_200 : i32
      %add3A_202 = arith.addi %mul3A_2, %mul3A_201 : i32
      %add3A_203 = arith.constant 13 : i32
      %add3A_204 = arith.addi %add3A_202, %add3A_203 : i32
      %dma_start3A_205 = arith.constant 0 : i32
      %dma_start3A_206 = tpu.memref_slice %arg10[%add3A_204, %dma_start3A_205] : memref<16384x32xf32, #tpu.memory_space<hbm>> -> memref<1x32xf32, #tpu.memory_space<hbm>>
      %dma_start3A_207 = arith.constant 0 : i32
      %dma_start3A_208 = tpu.memref_slice %arg6[%squeeze3A_199, %dma_start3A_207] : memref<1000001x32xf32, #tpu.memory_space<hbm>> -> memref<1x32xf32, #tpu.memory_space<hbm>>
      tpu.enqueue_dma source(%dma_start3A_208 : memref<1x32xf32, #tpu.memory_space<hbm>>) target(%dma_start3A_206 : memref<1x32xf32, #tpu.memory_space<hbm>>) target_semaphore(%arg12 : memref<!tpu.dma_semaphore, #tpu.memory_space<semaphore_mem>>)
      %slice3A_209 = vector.extract_strided_slice %get3A_57 {offsets = [14], sizes = [1], strides = [1]} : vector<16xi32> to vector<1xi32>
      %squeeze3A_210 = vector.extract %slice3A_209[0] : i32 from vector<1xi32>
      %mul3A_211 = arith.constant 16 : i32
      %mul3A_212 = arith.muli %scan3A_52, %mul3A_211 : i32
      %add3A_213 = arith.addi %mul3A_2, %mul3A_212 : i32
      %add3A_214 = arith.constant 14 : i32
      %add3A_215 = arith.addi %add3A_213, %add3A_214 : i32
      %dma_start3A_216 = arith.constant 0 : i32
      %dma_start3A_217 = tpu.memref_slice %arg10[%add3A_215, %dma_start3A_216] : memref<16384x32xf32, #tpu.memory_space<hbm>> -> memref<1x32xf32, #tpu.memory_space<hbm>>
      %dma_start3A_218 = arith.constant 0 : i32
      %dma_start3A_219 = tpu.memref_slice %arg6[%squeeze3A_210, %dma_start3A_218] : memref<1000001x32xf32, #tpu.memory_space<hbm>> -> memref<1x32xf32, #tpu.memory_space<hbm>>
      tpu.enqueue_dma source(%dma_start3A_219 : memref<1x32xf32, #tpu.memory_space<hbm>>) target(%dma_start3A_217 : memref<1x32xf32, #tpu.memory_space<hbm>>) target_semaphore(%arg12 : memref<!tpu.dma_semaphore, #tpu.memory_space<semaphore_mem>>)
      %slice3A_220 = vector.extract_strided_slice %get3A_57 {offsets = [15], sizes = [1], strides = [1]} : vector<16xi32> to vector<1xi32>
      %squeeze3A_221 = vector.extract %slice3A_220[0] : i32 from vector<1xi32>
      %mul3A_222 = arith.constant 16 : i32
      %mul3A_223 = arith.muli %scan3A_52, %mul3A_222 : i32
      %add3A_224 = arith.addi %mul3A_2, %mul3A_223 : i32
      %add3A_225 = arith.constant 15 : i32
      %add3A_226 = arith.addi %add3A_224, %add3A_225 : i32
      %dma_start3A_227 = arith.constant 0 : i32
      %dma_start3A_228 = tpu.memref_slice %arg10[%add3A_226, %dma_start3A_227] : memref<16384x32xf32, #tpu.memory_space<hbm>> -> memref<1x32xf32, #tpu.memory_space<hbm>>
      %dma_start3A_229 = arith.constant 0 : i32
      %dma_start3A_230 = tpu.memref_slice %arg6[%squeeze3A_221, %dma_start3A_229] : memref<1000001x32xf32, #tpu.memory_space<hbm>> -> memref<1x32xf32, #tpu.memory_space<hbm>>
      tpu.enqueue_dma source(%dma_start3A_230 : memref<1x32xf32, #tpu.memory_space<hbm>>) target(%dma_start3A_228 : memref<1x32xf32, #tpu.memory_space<hbm>>) target_semaphore(%arg12 : memref<!tpu.dma_semaphore, #tpu.memory_space<semaphore_mem>>)
      %scan3A_231 = arith.constant 0 : i32
      scf.yield %scan3A_231 : i32
    }
    %scan3A_32 = arith.constant 32 : i32
    %dma_wait3A = arith.constant 0 : i32
    %dma_wait3A_33 = tpu.memref_slice %arg7[%mul3A_2, %dma_wait3A] : memref<16384x32xf32, #tpu.memory_space<hbm>> -> memref<512x32xf32, #tpu.memory_space<hbm>>
    %dma_wait3A_34 = arith.constant 0 : i32
    %dma_wait3A_35 = arith.constant 0 : i32
    %dma_wait3A_36 = tpu.memref_slice %arg7[%dma_wait3A_34, %dma_wait3A_35] : memref<16384x32xf32, #tpu.memory_space<hbm>> -> memref<512x32xf32, #tpu.memory_space<hbm>>
    tpu.wait_dma2 semaphore(%arg12 : memref<!tpu.dma_semaphore, #tpu.memory_space<semaphore_mem>>) src(%dma_wait3A_36 : memref<512x32xf32, #tpu.memory_space<hbm>>) dst(%dma_wait3A_33 : memref<512x32xf32, #tpu.memory_space<hbm>>)
    %dma_wait3A_37 = arith.constant 0 : i32
    %dma_wait3A_38 = tpu.memref_slice %arg8[%mul3A_2, %dma_wait3A_37] : memref<16384x32xf32, #tpu.memory_space<hbm>> -> memref<512x32xf32, #tpu.memory_space<hbm>>
    %dma_wait3A_39 = arith.constant 0 : i32
    %dma_wait3A_40 = arith.constant 0 : i32
    %dma_wait3A_41 = tpu.memref_slice %arg8[%dma_wait3A_39, %dma_wait3A_40] : memref<16384x32xf32, #tpu.memory_space<hbm>> -> memref<512x32xf32, #tpu.memory_space<hbm>>
    tpu.wait_dma2 semaphore(%arg12 : memref<!tpu.dma_semaphore, #tpu.memory_space<semaphore_mem>>) src(%dma_wait3A_41 : memref<512x32xf32, #tpu.memory_space<hbm>>) dst(%dma_wait3A_38 : memref<512x32xf32, #tpu.memory_space<hbm>>)
    %dma_wait3A_42 = arith.constant 0 : i32
    %dma_wait3A_43 = tpu.memref_slice %arg9[%mul3A_2, %dma_wait3A_42] : memref<16384x32xf32, #tpu.memory_space<hbm>> -> memref<512x32xf32, #tpu.memory_space<hbm>>
    %dma_wait3A_44 = arith.constant 0 : i32
    %dma_wait3A_45 = arith.constant 0 : i32
    %dma_wait3A_46 = tpu.memref_slice %arg9[%dma_wait3A_44, %dma_wait3A_45] : memref<16384x32xf32, #tpu.memory_space<hbm>> -> memref<512x32xf32, #tpu.memory_space<hbm>>
    tpu.wait_dma2 semaphore(%arg12 : memref<!tpu.dma_semaphore, #tpu.memory_space<semaphore_mem>>) src(%dma_wait3A_46 : memref<512x32xf32, #tpu.memory_space<hbm>>) dst(%dma_wait3A_43 : memref<512x32xf32, #tpu.memory_space<hbm>>)
    %dma_wait3A_47 = arith.constant 0 : i32
    %dma_wait3A_48 = tpu.memref_slice %arg10[%mul3A_2, %dma_wait3A_47] : memref<16384x32xf32, #tpu.memory_space<hbm>> -> memref<512x32xf32, #tpu.memory_space<hbm>>
    %dma_wait3A_49 = arith.constant 0 : i32
    %dma_wait3A_50 = arith.constant 0 : i32
    %dma_wait3A_51 = tpu.memref_slice %arg10[%dma_wait3A_49, %dma_wait3A_50] : memref<16384x32xf32, #tpu.memory_space<hbm>> -> memref<512x32xf32, #tpu.memory_space<hbm>>
    tpu.wait_dma2 semaphore(%arg12 : memref<!tpu.dma_semaphore, #tpu.memory_space<semaphore_mem>>) src(%dma_wait3A_51 : memref<512x32xf32, #tpu.memory_space<hbm>>) dst(%dma_wait3A_48 : memref<512x32xf32, #tpu.memory_space<hbm>>)
    return
  }
}

module attributes {stable_mosaic.version = 14 : i64} {
  func.func @_mlp_body(%arg0: i32, %arg1: memref<2048x32xf32, #tpu.memory_space<vmem>>, %arg2: memref<2048x32xf32, #tpu.memory_space<vmem>>, %arg3: memref<2048x32xf32, #tpu.memory_space<vmem>>, %arg4: memref<2048x32xf32, #tpu.memory_space<vmem>>, %arg5: memref<32x64xf32, #tpu.memory_space<vmem>>, %arg6: memref<32x64xf32, #tpu.memory_space<vmem>>, %arg7: memref<32x64xf32, #tpu.memory_space<vmem>>, %arg8: memref<32x64xf32, #tpu.memory_space<vmem>>, %arg9: memref<1x64xf32, #tpu.memory_space<vmem>>, %arg10: memref<64x32xf32, #tpu.memory_space<vmem>>, %arg11: memref<1x32xf32, #tpu.memory_space<vmem>>, %arg12: memref<32x16xf32, #tpu.memory_space<vmem>>, %arg13: memref<1x16xf32, #tpu.memory_space<vmem>>, %arg14: memref<16x8xf32, #tpu.memory_space<vmem>>, %arg15: memref<1x8xf32, #tpu.memory_space<vmem>>, %arg16: memref<8x1xf32, #tpu.memory_space<vmem>>, %arg17: memref<1x1xf32, #tpu.memory_space<vmem>>, %arg18: memref<2048x1xf32, #tpu.memory_space<vmem>>) attributes {dimension_semantics = [#tpu.dimension_semantics<arbitrary>], iteration_bounds = array<i64: 8>, scalar_prefetch = 0 : i64, scratch_operands = 0 : i64, tpu.core_type = #tpu.core_type<tc>, window_params = [{transform_indices = @transform_0, window_bounds = array<i64: 2048, 32>}, {transform_indices = @transform_1, window_bounds = array<i64: 2048, 32>}, {transform_indices = @transform_2, window_bounds = array<i64: 2048, 32>}, {transform_indices = @transform_3, window_bounds = array<i64: 2048, 32>}, {pipeline_mode = #tpu.pipeline_mode<synchronous>, transform_indices = @transform_4, window_bounds = array<i64: 32, 64>}, {pipeline_mode = #tpu.pipeline_mode<synchronous>, transform_indices = @transform_5, window_bounds = array<i64: 32, 64>}, {pipeline_mode = #tpu.pipeline_mode<synchronous>, transform_indices = @transform_6, window_bounds = array<i64: 32, 64>}, {pipeline_mode = #tpu.pipeline_mode<synchronous>, transform_indices = @transform_7, window_bounds = array<i64: 32, 64>}, {pipeline_mode = #tpu.pipeline_mode<synchronous>, transform_indices = @transform_8, window_bounds = array<i64: 1, 64>}, {pipeline_mode = #tpu.pipeline_mode<synchronous>, transform_indices = @transform_9, window_bounds = array<i64: 64, 32>}, {pipeline_mode = #tpu.pipeline_mode<synchronous>, transform_indices = @transform_10, window_bounds = array<i64: 1, 32>}, {pipeline_mode = #tpu.pipeline_mode<synchronous>, transform_indices = @transform_11, window_bounds = array<i64: 32, 16>}, {pipeline_mode = #tpu.pipeline_mode<synchronous>, transform_indices = @transform_12, window_bounds = array<i64: 1, 16>}, {pipeline_mode = #tpu.pipeline_mode<synchronous>, transform_indices = @transform_13, window_bounds = array<i64: 16, 8>}, {pipeline_mode = #tpu.pipeline_mode<synchronous>, transform_indices = @transform_14, window_bounds = array<i64: 1, 8>}, {pipeline_mode = #tpu.pipeline_mode<synchronous>, transform_indices = @transform_15, window_bounds = array<i64: 8, 1>}, {pipeline_mode = #tpu.pipeline_mode<synchronous>, transform_indices = @transform_16, window_bounds = array<i64: 1, 1>}, {transform_indices = @transform_17, window_bounds = array<i64: 2048, 1>}]} {
    %get3A = arith.constant 0 : index
    %get3A_0 = arith.constant 0 : index
    %get3A_1 = vector.load %arg1[%get3A, %get3A_0] : memref<2048x32xf32, #tpu.memory_space<vmem>>, vector<2048x32xf32>
    %get3A_2 = arith.constant 0 : index
    %get3A_3 = arith.constant 0 : index
    %get3A_4 = vector.load %arg5[%get3A_2, %get3A_3] : memref<32x64xf32, #tpu.memory_space<vmem>>, vector<32x64xf32>
    %dot_general3A = arith.constant dense<0.000000e+00> : vector<2048x64xf32>
    %dot_general3A_5 = tpu.matmul %get3A_1, %get3A_4, %dot_general3A {dimension_numbers = #tpu.dot_dimension_numbers<[1], [0], [0], [1], [0, 0, 1, 1], [], []>, transpose_lhs_hint = false} : vector<2048x32xf32>, vector<32x64xf32>, vector<2048x64xf32> -> vector<2048x64xf32>
    %get3A_6 = arith.constant 0 : index
    %get3A_7 = arith.constant 0 : index
    %get3A_8 = vector.load %arg2[%get3A_6, %get3A_7] : memref<2048x32xf32, #tpu.memory_space<vmem>>, vector<2048x32xf32>
    %get3A_9 = arith.constant 0 : index
    %get3A_10 = arith.constant 0 : index
    %get3A_11 = vector.load %arg6[%get3A_9, %get3A_10] : memref<32x64xf32, #tpu.memory_space<vmem>>, vector<32x64xf32>
    %dot_general3A_12 = arith.constant dense<0.000000e+00> : vector<2048x64xf32>
    %dot_general3A_13 = tpu.matmul %get3A_8, %get3A_11, %dot_general3A_12 {dimension_numbers = #tpu.dot_dimension_numbers<[1], [0], [0], [1], [0, 0, 1, 1], [], []>, transpose_lhs_hint = false} : vector<2048x32xf32>, vector<32x64xf32>, vector<2048x64xf32> -> vector<2048x64xf32>
    %add3A = arith.addf %dot_general3A_5, %dot_general3A_13 : vector<2048x64xf32>
    %get3A_14 = arith.constant 0 : index
    %get3A_15 = arith.constant 0 : index
    %get3A_16 = vector.load %arg3[%get3A_14, %get3A_15] : memref<2048x32xf32, #tpu.memory_space<vmem>>, vector<2048x32xf32>
    %get3A_17 = arith.constant 0 : index
    %get3A_18 = arith.constant 0 : index
    %get3A_19 = vector.load %arg7[%get3A_17, %get3A_18] : memref<32x64xf32, #tpu.memory_space<vmem>>, vector<32x64xf32>
    %dot_general3A_20 = arith.constant dense<0.000000e+00> : vector<2048x64xf32>
    %dot_general3A_21 = tpu.matmul %get3A_16, %get3A_19, %dot_general3A_20 {dimension_numbers = #tpu.dot_dimension_numbers<[1], [0], [0], [1], [0, 0, 1, 1], [], []>, transpose_lhs_hint = false} : vector<2048x32xf32>, vector<32x64xf32>, vector<2048x64xf32> -> vector<2048x64xf32>
    %add3A_22 = arith.addf %add3A, %dot_general3A_21 : vector<2048x64xf32>
    %get3A_23 = arith.constant 0 : index
    %get3A_24 = arith.constant 0 : index
    %get3A_25 = vector.load %arg4[%get3A_23, %get3A_24] : memref<2048x32xf32, #tpu.memory_space<vmem>>, vector<2048x32xf32>
    %get3A_26 = arith.constant 0 : index
    %get3A_27 = arith.constant 0 : index
    %get3A_28 = vector.load %arg8[%get3A_26, %get3A_27] : memref<32x64xf32, #tpu.memory_space<vmem>>, vector<32x64xf32>
    %dot_general3A_29 = arith.constant dense<0.000000e+00> : vector<2048x64xf32>
    %dot_general3A_30 = tpu.matmul %get3A_25, %get3A_28, %dot_general3A_29 {dimension_numbers = #tpu.dot_dimension_numbers<[1], [0], [0], [1], [0, 0, 1, 1], [], []>, transpose_lhs_hint = false} : vector<2048x32xf32>, vector<32x64xf32>, vector<2048x64xf32> -> vector<2048x64xf32>
    %add3A_31 = arith.addf %add3A_22, %dot_general3A_30 : vector<2048x64xf32>
    %get3A_32 = arith.constant 0 : index
    %get3A_33 = arith.constant 0 : index
    %get3A_34 = vector.load %arg9[%get3A_32, %get3A_33] : memref<1x64xf32, #tpu.memory_space<vmem>>, vector<1x64xf32>
    %add3A_35 = vector.broadcast %get3A_34 : vector<1x64xf32> to vector<2048x64xf32>
    %add3A_36 = arith.addf %add3A_31, %add3A_35 : vector<2048x64xf32>
    %max3A = arith.constant 0.000000e+00 : f32
    %max3A_37 = vector.broadcast %max3A : f32 to vector<2048x64xf32>
    %max3A_38 = arith.maximumf %add3A_36, %max3A_37 : vector<2048x64xf32>
    %get3A_39 = arith.constant 0 : index
    %get3A_40 = arith.constant 0 : index
    %get3A_41 = vector.load %arg10[%get3A_39, %get3A_40] : memref<64x32xf32, #tpu.memory_space<vmem>>, vector<64x32xf32>
    %dot_general3A_42 = arith.constant dense<0.000000e+00> : vector<2048x32xf32>
    %dot_general3A_43 = tpu.matmul %max3A_38, %get3A_41, %dot_general3A_42 {dimension_numbers = #tpu.dot_dimension_numbers<[1], [0], [0], [1], [0, 0, 1, 1], [], []>, transpose_lhs_hint = false} : vector<2048x64xf32>, vector<64x32xf32>, vector<2048x32xf32> -> vector<2048x32xf32>
    %get3A_44 = arith.constant 0 : index
    %get3A_45 = arith.constant 0 : index
    %get3A_46 = vector.load %arg11[%get3A_44, %get3A_45] : memref<1x32xf32, #tpu.memory_space<vmem>>, vector<1x32xf32>
    %add3A_47 = vector.broadcast %get3A_46 : vector<1x32xf32> to vector<2048x32xf32>
    %add3A_48 = arith.addf %dot_general3A_43, %add3A_47 : vector<2048x32xf32>
    %max3A_49 = arith.constant 0.000000e+00 : f32
    %max3A_50 = vector.broadcast %max3A_49 : f32 to vector<2048x32xf32>
    %max3A_51 = arith.maximumf %add3A_48, %max3A_50 : vector<2048x32xf32>
    %get3A_52 = arith.constant 0 : index
    %get3A_53 = arith.constant 0 : index
    %get3A_54 = vector.load %arg12[%get3A_52, %get3A_53] : memref<32x16xf32, #tpu.memory_space<vmem>>, vector<32x16xf32>
    %dot_general3A_55 = arith.constant dense<0.000000e+00> : vector<2048x16xf32>
    %dot_general3A_56 = tpu.matmul %max3A_51, %get3A_54, %dot_general3A_55 {dimension_numbers = #tpu.dot_dimension_numbers<[1], [0], [0], [1], [0, 0, 1, 1], [], []>, transpose_lhs_hint = false} : vector<2048x32xf32>, vector<32x16xf32>, vector<2048x16xf32> -> vector<2048x16xf32>
    %get3A_57 = arith.constant 0 : index
    %get3A_58 = arith.constant 0 : index
    %get3A_59 = vector.load %arg13[%get3A_57, %get3A_58] : memref<1x16xf32, #tpu.memory_space<vmem>>, vector<1x16xf32>
    %add3A_60 = vector.broadcast %get3A_59 : vector<1x16xf32> to vector<2048x16xf32>
    %add3A_61 = arith.addf %dot_general3A_56, %add3A_60 : vector<2048x16xf32>
    %max3A_62 = arith.constant 0.000000e+00 : f32
    %max3A_63 = vector.broadcast %max3A_62 : f32 to vector<2048x16xf32>
    %max3A_64 = arith.maximumf %add3A_61, %max3A_63 : vector<2048x16xf32>
    %get3A_65 = arith.constant 0 : index
    %get3A_66 = arith.constant 0 : index
    %get3A_67 = vector.load %arg14[%get3A_65, %get3A_66] : memref<16x8xf32, #tpu.memory_space<vmem>>, vector<16x8xf32>
    %dot_general3A_68 = arith.constant dense<0.000000e+00> : vector<2048x8xf32>
    %dot_general3A_69 = tpu.matmul %max3A_64, %get3A_67, %dot_general3A_68 {dimension_numbers = #tpu.dot_dimension_numbers<[1], [0], [0], [1], [0, 0, 1, 1], [], []>, transpose_lhs_hint = false} : vector<2048x16xf32>, vector<16x8xf32>, vector<2048x8xf32> -> vector<2048x8xf32>
    %get3A_70 = arith.constant 0 : index
    %get3A_71 = arith.constant 0 : index
    %get3A_72 = vector.load %arg15[%get3A_70, %get3A_71] : memref<1x8xf32, #tpu.memory_space<vmem>>, vector<1x8xf32>
    %add3A_73 = vector.broadcast %get3A_72 : vector<1x8xf32> to vector<2048x8xf32>
    %add3A_74 = arith.addf %dot_general3A_69, %add3A_73 : vector<2048x8xf32>
    %max3A_75 = arith.constant 0.000000e+00 : f32
    %max3A_76 = vector.broadcast %max3A_75 : f32 to vector<2048x8xf32>
    %max3A_77 = arith.maximumf %add3A_74, %max3A_76 : vector<2048x8xf32>
    %get3A_78 = arith.constant 0 : index
    %get3A_79 = arith.constant 0 : index
    %get3A_80 = vector.load %arg16[%get3A_78, %get3A_79] : memref<8x1xf32, #tpu.memory_space<vmem>>, vector<8x1xf32>
    %dot_general3A_81 = arith.constant dense<0.000000e+00> : vector<2048x1xf32>
    %dot_general3A_82 = tpu.matmul %max3A_77, %get3A_80, %dot_general3A_81 {dimension_numbers = #tpu.dot_dimension_numbers<[1], [0], [0], [1], [0, 0, 1, 1], [], []>, transpose_lhs_hint = false} : vector<2048x8xf32>, vector<8x1xf32>, vector<2048x1xf32> -> vector<2048x1xf32>
    %get3A_83 = arith.constant 0 : index
    %get3A_84 = arith.constant 0 : index
    %get3A_85 = vector.load %arg17[%get3A_83, %get3A_84] : memref<1x1xf32, #tpu.memory_space<vmem>>, vector<1x1xf32>
    %add3A_86 = vector.broadcast %get3A_85 : vector<1x1xf32> to vector<2048x1xf32>
    %add3A_87 = arith.addf %dot_general3A_82, %add3A_86 : vector<2048x1xf32>
    %swap3A = arith.constant 0 : index
    %swap3A_88 = arith.constant 0 : index
    %swap3A_89 = vector.load %arg18[%swap3A, %swap3A_88] : memref<2048x1xf32, #tpu.memory_space<vmem>>, vector<2048x1xf32>
    tpu.vector_store %arg18[%swap3A, %swap3A_88], %add3A_87 {strides = array<i32>} : memref<2048x1xf32, #tpu.memory_space<vmem>>, vector<2048x1xf32>,
    return
  }
  func.func @transform_0(%arg0: i32) -> (i32, i32) {
    %c0_i32 = arith.constant 0 : i32
    %c0_i32_0 = arith.constant 0 : i32
    return %arg0, %c0_i32 : i32, i32
  }
  func.func @transform_1(%arg0: i32) -> (i32, i32) {
    %c0_i32 = arith.constant 0 : i32
    %c0_i32_0 = arith.constant 0 : i32
    return %arg0, %c0_i32 : i32, i32
  }
  func.func @transform_2(%arg0: i32) -> (i32, i32) {
    %c0_i32 = arith.constant 0 : i32
    %c0_i32_0 = arith.constant 0 : i32
    return %arg0, %c0_i32 : i32, i32
  }
  func.func @transform_3(%arg0: i32) -> (i32, i32) {
    %c0_i32 = arith.constant 0 : i32
    %c0_i32_0 = arith.constant 0 : i32
    return %arg0, %c0_i32 : i32, i32
  }
  func.func @transform_4(%arg0: i32) -> (i32, i32) {
    %c0_i32 = arith.constant 0 : i32
    %c0_i32_0 = arith.constant 0 : i32
    %c0_i32_1 = arith.constant 0 : i32
    return %c0_i32, %c0_i32_0 : i32, i32
  }
  func.func @transform_5(%arg0: i32) -> (i32, i32) {
    %c0_i32 = arith.constant 0 : i32
    %c0_i32_0 = arith.constant 0 : i32
    %c0_i32_1 = arith.constant 0 : i32
    return %c0_i32, %c0_i32_0 : i32, i32
  }
  func.func @transform_6(%arg0: i32) -> (i32, i32) {
    %c0_i32 = arith.constant 0 : i32
    %c0_i32_0 = arith.constant 0 : i32
    %c0_i32_1 = arith.constant 0 : i32
    return %c0_i32, %c0_i32_0 : i32, i32
  }
  func.func @transform_7(%arg0: i32) -> (i32, i32) {
    %c0_i32 = arith.constant 0 : i32
    %c0_i32_0 = arith.constant 0 : i32
    %c0_i32_1 = arith.constant 0 : i32
    return %c0_i32, %c0_i32_0 : i32, i32
  }
  func.func @transform_8(%arg0: i32) -> (i32, i32) {
    %c0_i32 = arith.constant 0 : i32
    %c0_i32_0 = arith.constant 0 : i32
    %c0_i32_1 = arith.constant 0 : i32
    return %c0_i32, %c0_i32_0 : i32, i32
  }
  func.func @transform_9(%arg0: i32) -> (i32, i32) {
    %c0_i32 = arith.constant 0 : i32
    %c0_i32_0 = arith.constant 0 : i32
    %c0_i32_1 = arith.constant 0 : i32
    return %c0_i32, %c0_i32_0 : i32, i32
  }
  func.func @transform_10(%arg0: i32) -> (i32, i32) {
    %c0_i32 = arith.constant 0 : i32
    %c0_i32_0 = arith.constant 0 : i32
    %c0_i32_1 = arith.constant 0 : i32
    return %c0_i32, %c0_i32_0 : i32, i32
  }
  func.func @transform_11(%arg0: i32) -> (i32, i32) {
    %c0_i32 = arith.constant 0 : i32
    %c0_i32_0 = arith.constant 0 : i32
    %c0_i32_1 = arith.constant 0 : i32
    return %c0_i32, %c0_i32_0 : i32, i32
  }
  func.func @transform_12(%arg0: i32) -> (i32, i32) {
    %c0_i32 = arith.constant 0 : i32
    %c0_i32_0 = arith.constant 0 : i32
    %c0_i32_1 = arith.constant 0 : i32
    return %c0_i32, %c0_i32_0 : i32, i32
  }
  func.func @transform_13(%arg0: i32) -> (i32, i32) {
    %c0_i32 = arith.constant 0 : i32
    %c0_i32_0 = arith.constant 0 : i32
    %c0_i32_1 = arith.constant 0 : i32
    return %c0_i32, %c0_i32_0 : i32, i32
  }
  func.func @transform_14(%arg0: i32) -> (i32, i32) {
    %c0_i32 = arith.constant 0 : i32
    %c0_i32_0 = arith.constant 0 : i32
    %c0_i32_1 = arith.constant 0 : i32
    return %c0_i32, %c0_i32_0 : i32, i32
  }
  func.func @transform_15(%arg0: i32) -> (i32, i32) {
    %c0_i32 = arith.constant 0 : i32
    %c0_i32_0 = arith.constant 0 : i32
    %c0_i32_1 = arith.constant 0 : i32
    return %c0_i32, %c0_i32_0 : i32, i32
  }
  func.func @transform_16(%arg0: i32) -> (i32, i32) {
    %c0_i32 = arith.constant 0 : i32
    %c0_i32_0 = arith.constant 0 : i32
    %c0_i32_1 = arith.constant 0 : i32
    return %c0_i32, %c0_i32_0 : i32, i32
  }
  func.func @transform_17(%arg0: i32) -> (i32, i32) {
    %c0_i32 = arith.constant 0 : i32
    %c0_i32_0 = arith.constant 0 : i32
    return %arg0, %c0_i32 : i32, i32
  }
}

</mosaic_0001>

<sc_bundles>
// kernel: kernel.4.cloned.1.call-start
scs
__scs_entry_jumppad:
0x0: {  	(pc) =	sbr.rel $0x88, $3  }
0x1: {  	(tag) =	ssettag $0x0;
	lr =	simm.s32 $0x1  }
0x2: {  	[smem:$0x3F8F] =	sst lr;
	_ =	strace $0xD0000000  }
0x3: {  	_ = 	snop  }
0x4: {  	_ = 	snop  }
0x5: {  	_ = 	snop  }
0x6: {  	_ = 	snop  }
0x7: {  	_ = 	snop  }
__scs_overlays_trampoline_lowered:
0x8: {  	[smem:$0x3F9E] =	sst s0  }
0x9: {  	[smem:$0x3F9F] =	sst s1  }
0xa: {  	[smem:$0x3FA0] =	sst s2  }
0xb: {  	[smem:$0x3FA1] =	sst s3  }
0xc: {  	[smem:$0x3FA2] =	sst s4  }
0xd: {  	[smem:$0x3FA3] =	sst s5  }
0xe: {  	[smem:$0x3FA4] =	sst s6  }
0xf: {  	[smem:$0x3FA5] =	sst s7  }
0x10: {  	[smem:$0x3FA6] =	sst s8  }
0x11: {  	[smem:$0x3FA7] =	sst s9;
	s0 =	simm.s32 @!p0 $0x0  }
0x12: {  	s1 =	sld [smem:$0x3F8D];
	s0 =	simm.s32 @p0 $0x1  }
0x13: {  	[smem:$0x3FA8] =	sst s0;
	s0 =	simm.s32 @!p1 $0x0  }
0x14: {  	s2 =	sld [smem:$0x3F8C];
	s0 =	simm.s32 @p1 $0x1  }
0x15: {  	[smem:$0x3FA9] =	sst s0;
	s0 =	simm.s32 @!p2 $0x0  }
0x16: {  	s3 =	sld [smem:$0x3FDB];
	s0 =	simm.s32 @p2 $0x1  }
0x17: {  	s4 =	simm.s32 $0x1BF5;
	[smem:$0x3FAB] =	sst s0  }
0x18: {  	s0 =	sld [smem:$0x3F8E];
	_ =	swait.ge [sflag:s4], $0x0  }
0x19: {  	s7 =	sld [smem:$0x3F8F]  }
0x1a: {  	s8 =	sadd.s32 $0xFFFFE003, lr  }
0x1b: {  	s9 =	sadd.s32 $0xFFFFFEF7, lr;
	s5 =	simm.s32 $0xFFFFFFFF;
	p2 =	slt.u32 s8, $0xFFFFF086  }
0x1c: {  	p1 =	slt.u32 s9, $0xF7A;
	s5 =	simm.s32 @!p2 $0x0  }
0x1d: {  	s5 =	simm.s32 @p1 $0x1;
	p0 =	seq.s32 s7, s2  }
0x1e: {  	s7 =	smul.u32 @!p0 $0xF7A, s2;
	p2 =	seq.s32 @!p0 s5, $0x0  }
0x1f: {  	s9 =	smul.u32 $0xF7A, s1;
	s8 =	simm.s32 @!p0 $0x1BF5;
	p2 =	por !p2, p0  }
0x20: {  	[sflag:s8] =	ssyncset.s32 @!p0 $0xFFFFF086;
	s6 =	sadd.s32 @!p0 s3, s7;
	s7 =	simm.s32 @!p0 $0x108  }
0x21: {  	s3 =	sadd.s32 s3, s9;
	s6 =	sadd.s32 @!p0 $0x88, s6;
	s7 =	simm.s32 @p2 $0x1082  }
0x22: {  	[simem:s7], [sflag:s8] =	dma.local @!p0 [hbm:s6], $0xF7A  }
0x23: {  	s9 =	sor.u32 $0xD0000000, s2;
	s6 =	simm.s32 $0x108;
	_ =	swait.ge @!p0 [sflag:s8], $0x0  }
0x24: {  	s3 =	sadd.s32 $0x88, s3;
	s6 =	simm.s32 @!p1 $0x1082;
	[sflag:s4] =	ssyncset.s32 $0xFFFFF086  }
0x25: {  	[simem:s6], [sflag:s4] =	dma.local [hbm:s3], $0xF7A  }
0x26: {  	[smem:$0x3F8F] =	sst s1;
	(tag) =	ssettag s2;
	_ =	strace s9  }
0x27: {  	s1 =	sld [smem:$0x3F9F]  }
0x28: {  	s2 =	sld [smem:$0x3FA0]  }
0x29: {  	s4 =	sld [smem:$0x3FA2]  }
0x2a: {  	p0 =	seq.s32 s5, $0x0;
	s5 =	sld [smem:$0x3FA3]  }
0x2b: {  	s6 =	sld [smem:$0x3FA4]  }
0x2c: {  	s7 =	sld [smem:$0x3FA5]  }
0x2d: {  	s3 =	simm.s32 $0x108;
	s8 =	sld [smem:$0x3FA6]  }
0x2e: {  	s3 =	simm.s32 @!p0 $0x1082;
	s9 =	sld [smem:$0x3FA7]  }
0x2f: {  	lr =	sadd.s32 s0, s3;
	s0 =	sld [smem:$0x3F9E]  }
0x30: {  	s3 =	sld [smem:$0x3FA1]  }
0x31: {  	[smem:$0x3FAA] =	sst s10  }
0x32: {  	s10 =	sld [smem:$0x3FA8];
	_ =	sdelay $0x3  }
0x33: {  	p0 =	seq.s32 s10, $0x1;
	s10 =	sld [smem:$0x3FAA];
	_ =	sdelay $0x3  }
0x34: {  	[smem:$0x3FAA] =	sst s10  }
0x35: {  	s10 =	sld [smem:$0x3FA9];
	_ =	sdelay $0x3  }
0x36: {  	p1 =	seq.s32 s10, $0x1;
	s10 =	sld [smem:$0x3FAA];
	_ =	sdelay $0x3  }
0x37: {  	[smem:$0x3FAA] =	sst s10  }
0x38: {  	s10 =	sld [smem:$0x3FAB]  }
0x39: {  	_ = 	snop;
	(pc) =	sbr.ind lr, $3  }
0x3a: {  	_ = 	snop  }
0x3b: {  	_ = 	snop  }
0x3c: {  	p2 =	seq.s32 s10, $0x1;
	s10 =	sld [smem:$0x3FAA]  }
0x3d: {  	_ =	shalt  }
0x3e: {  	_ =	shalt  }
0x3f: {  	_ =	shalt  }
0x40: {  	_ =	shalt  }
0x41: {  	_ =	shalt  }
0x42: {  	_ =	shalt  }
0x43: {  	_ =	shalt  }
0x44: {  	_ =	shalt  }
0x45: {  	_ =	shalt  }
0x46: {  	_ =	shalt  }
0x47: {  	_ =	shalt  }
0x48: {  	_ =	shalt  }
0x49: {  	_ =	shalt  }
0x4a: {  	_ =	shalt  }
0x4b: {  	_ =	shalt  }
0x4c: {  	_ =	shalt  }
0x4d: {  	_ =	shalt  }
0x4e: {  	_ =	shalt  }
0x4f: {  	_ =	shalt  }
0x50: {  	_ =	shalt  }
0x51: {  	_ =	shalt  }
0x52: {  	_ =	shalt  }
0x53: {  	_ =	shalt  }
0x54: {  	_ =	shalt  }
0x55: {  	_ =	shalt  }
0x56: {  	_ =	shalt  }
0x57: {  	_ =	shalt  }
0x58: {  	_ =	shalt  }
0x59: {  	_ =	shalt  }
0x5a: {  	_ =	shalt  }
0x5b: {  	_ =	shalt  }
0x5c: {  	_ =	shalt  }
0x5d: {  	_ =	shalt  }
0x5e: {  	_ =	shalt  }
0x5f: {  	_ =	shalt  }
0x60: {  	_ =	shalt  }
0x61: {  	_ =	shalt  }
0x62: {  	_ =	shalt  }
0x63: {  	_ =	shalt  }
0x64: {  	_ =	shalt  }
0x65: {  	_ =	shalt  }
0x66: {  	_ =	shalt  }
0x67: {  	_ =	shalt  }
0x68: {  	_ =	shalt  }
0x69: {  	_ =	shalt  }
0x6a: {  	_ =	shalt  }
0x6b: {  	_ =	shalt  }
0x6c: {  	_ =	shalt  }
0x6d: {  	_ =	shalt  }
0x6e: {  	_ =	shalt  }
0x6f: {  	_ =	shalt  }
0x70: {  	_ =	shalt  }
0x71: {  	_ =	shalt  }
0x72: {  	_ =	shalt  }
0x73: {  	_ =	shalt  }
0x74: {  	_ =	shalt  }
0x75: {  	_ =	shalt  }
0x76: {  	_ =	shalt  }
0x77: {  	_ =	shalt  }
0x78: {  	_ =	shalt  }
0x79: {  	_ =	shalt  }
0x7a: {  	_ =	shalt  }
0x7b: {  	_ =	shalt  }
0x7c: {  	_ =	shalt  }
0x7d: {  	_ =	shalt  }
0x7e: {  	_ =	shalt  }
0x7f: {  	_ =	shalt  }
0x80: {  	_ =	shalt  }
0x81: {  	_ =	shalt  }
0x82: {  	_ =	shalt  }
0x83: {  	_ =	shalt  }
0x84: {  	_ =	shalt  }
0x85: {  	_ =	shalt  }
0x86: {  	_ =	shalt  }
0x87: {  	_ =	shalt  }
.Lfunc_end0:
.L_simem_size_0:
called_computation_lowered:
.L_overlay_start_0:
0x88: {  	s2 =	sld [smem:$0x3FD9]  }
0x89: {  	s3 =	sld [smem:$0x3FFE];
	_ =	sdelay $0x1  }
0x8a: {  	s1 =	srdreg.scid  }
0x8b: {  	s0 =	sand.u32 $0x1, s1  }
0x8c: {  	s16 =	sshll.u32 s0, $0xA;
	s2 =	sadd.s32 s3, s2  }
0x8d: {  	s2 =	sadd.s32 s2, s16  }
0x8e: {  	[smem:$0x3FB6] =	sst s2  }
0x8f: {  	_ = 	snop  }
0x90: {  	(tm) =	ssettm $0x1  }
0x91: {  	s17 =	sld [smem:$0x3FFB];
	_ =	sdelay $0x3  }
0x92: {  	_ =	strace s17  }
0x93: {  	s2 =	sld [smem:$0x3FFC];
	_ =	sdelay $0x3  }
0x94: {  	_ =	strace s2  }
0x95: {  	s2 =	sld [smem:$0x3FFD];
	_ =	sdelay $0x3  }
0x96: {  	_ =	strace s2  }
0x97: {  	_ =	strace $0x8FFFFFFF  }
0x98: {  	s18 =	sld [smem:$0x3FDB];
	_ =	sdelay $0x1  }
0x99: {  	s19 =	simm.s32 $_scs_section_size  }
0x9a: {  	s4 =	simm.s32 $_size__tile_overlayer_lowered;
	s5 =	simm.s32 $_tile_overlayer_lowered  }
0x9b: {  	s22 =	simm.s32 $0x1BFF;
	s21 =	sshll.u32 s5, $0x1;
	s2 =	sadd.s32 s19, s18  }
0x9c: {  	s6 =	simm.s32 $0x0;
	s20 =	sshll.u32 s4, $0x1;
	s4 =	sadd.s32 s21, s2  }
0x9d: {  	[timem:s6], [sflag:s22] =	dma.local [hbm:s4], s20  }
0x9e: {  	_ =	swait.ge [sflag:s22], s20  }
0x9f: {  	s3 =	ssub.s32 $0x0, s20;
	[sflag:s22] =	ssyncset.done $0x0  }
0xa0: {  	[sflag:s22] =	ssyncadd.s32 s3;
	_ =	sdelay $0x1  }
0xa1: {  	s23 =	simm.s32 $0x1B8B  }
0xa2: {  	_ =	swait.ge [sflag:s23], $0x1  }
0xa3: {  	[sflag:s23] =	ssyncset.done $0x0  }
0xa4: {  	s25 =	simm.s32 $0x1B8E;
	s24 =	sld [smem:$0x3FFE];
	[sflag:s23] =	ssyncadd.s32 $0xFFFFFFFF  }
0xa5: {  	s26 =	simm.s32 $execute0_lowered;
	[smem:$0x3FD2] =	sst s25  }
0xa6: {  	s4 =	sshll.u32 s26, $0x1;
	_ =	strace $0x80000046;
	[dreg:$0x1] =	wrdreg $0xFFFFFFFF  }
0xa7: {  	s28 =	simm.s32 $_size_execute0_lowered;
	s2 =	sadd.s32 s2, s4;
	[dreg:$0x0] =	wrdreg $0x0  }
0xa8: {  	s4 =	sshll.u32 s28, $0x1;
	[dreg:$0x2] =	wrdreg s2  }
0xa9: {  	[dreg:$0x3] =	wrdreg s4  }
0xaa: {  	[dreg:$0x4] =	wrdreg $0xC0  }
0xab: {  	_ =	task [dreg:s6], $0x5FFFF  }
0xac: {  	[dreg:$0x1] =	wrdreg $0xFFFFFFFF  }
0xad: {  	[dreg:$0x0] =	wrdreg $0x60  }
0xae: {  	[dreg:$0x2] =	wrdreg s24  }
0xaf: {  	[dreg:$0x3] =	wrdreg $0x9  }
0xb0: {  	_ =	task.clear_ibuf [dreg:s6], $0x4FFFF;
	_ =	strace $0x90000046  }
0xb1: {  	s29 =	simm.s32 $0x9;
	_ =	strace $0x80000048  }
0xb2: {  	_ =	swait.ge [sflag:s29], $0x1  }
0xb3: {  	[sflag:s29] =	ssyncadd.s32 $0xFFFFFFFF  }
0xb4: {  	_ =	strace $0x90000048  }
0xb5: {  	_ =	sfence  }
0xb6: {  	s30 =	sld [smem:$0x0];
	_ =	sdelay $0x2  }
0xb7: {  	s31 =	sshll.u32 s1, $0xD;
	s1 =	sshrl.u32 s1, $0x2  }
0xb8: {  	s3 =	sand.u32 $0x4000, s31;
	s1 =	sadd.s32 s1, s30  }
0xb9: {  	s0 =	sor.u32 s3, s0;
	s1 =	sshll.u32 s1, $0x11  }
0xba: {  	s0 =	sor.u32 s1, s0  }
0xbb: {  	s0 =	sadd.s32 $0x8F2B, s0  }
0xbc: {  	[sflag:s0] =	ssyncadd.remote.s32 $0x1  }
0xbd: {  	_ =	sfence.sel $0xFFFF  }
0xbe: {  	[dreg:$0x0] =	wrdreg $0xFFFFFFFF;
	(pc) =	sbr.abs _section_cstart, $3  }
0xbf: {  	[dreg:$0x1] =	wrdreg $0xFFFFFFFF  }
0xc0: {  	_ =	task.clear_ibuf [dreg:s6], $0x2FFFF;
	_ =	strace $0x9FFFFFFF  }
0xc1: {  	(tm) =	ssettm $0x7FFFFFFF  }
tec
execute0_lowered:
.L_overlay_start_1:
0x0: {  	(tag) =	ssettag $0x1  }
0x1: {  	s0 =	srdreg.scid  }
0x2: {  	s4 =	stileid.u32;
	s18 =	rddreg [dreg:$0x0]  }
0x3: {  	s19 =	simm.s32 $0x0;
	s0 =	sand.u32 $0x1, s0;
	s1 =	sshll.u32 s4, $0x8  }
0x4: {  	s3 =	sshll.u32 s4, $0xA;
	[smem:$0x7FF] =	sst s19;
	s17 =	sadd.s32 $0x2DC9400, s18  }
0x5: {  	s20 =	sadd.s32 $0x2200, s18;
	s21 =	sadd.s32 $0xF44800, s18;
	s6 =	sshll.u32 s4, $0xE  }
0x6: {  	s28 =	sadd.s32 $0x1E86E00, s18;
	_ =	strace $0x80000047;
	[dreg:$0x1f] =	wrdreg s20  }
0x7: {  	s2 =	sshll.u32 s0, $0x7;
	[smem:$0x7F7] =	sst s21;
	s7 =	sadd.s32 s6, s18  }
0x8: {  	s8 =	ssub.s32 $0x2, s0;
	s0 =	sshll.u32 s0, $0xD;
	[dreg:$0x6] =	wrdreg s17  }
0x9: {  	[smem:$0x7FD] =	sst s28;
	s1 =	sor.u32 s2, s1;
	s0 =	sadd.s32 s0, s7  }
0xa: {  	s22 =	sshrl.u32 s8, $0x1;
	s1 =	sor.u32 s1, s3;
	s7 =	sadd.s32 $0x3D0DA00, s0  }
0xb: {  	s2 =	ssub.s32 s8, s22;
	s25 =	sadd.s32 $0x3D4DA00, s0;
	[dreg:$0x2] =	wrdreg s7  }
0xc: {  	s29 =	sadd.s32 $0x3D8DA00, s0;
	s1 =	sand.u32 $0x3380, s1;
	[dreg:$0x3] =	wrdreg s25  }
0xd: {  	s0 =	sadd.s32 $0x3DCDA00, s0;
	[dreg:$0x4] =	wrdreg s29;
	s1 =	sshrl.u32 s1, $0x3  }
0xe: {  	s30 =	smax.u32 s2, $0x1;
	[dreg:$0x5] =	wrdreg s0;
	s1 =	sadd.s32 s1, s18  }
0xf: {  	[smem:$0x7FC] =	sst s30;
	s23 =	sadd.s32 $0x3D0BA00, s1  }
0x10: {  	s24 =	sadd.s32 $0x3D0C200, s1;
	[smem:$0x7F8] =	sst s23  }
0x11: {  	s26 =	sadd.s32 $0x3D0CA00, s1;
	[smem:$0x7F9] =	sst s24  }
0x12: {  	s31 =	sshll.u32 s4, $0x6;
	s1 =	sadd.s32 $0x3D0D200, s1;
	[smem:$0x7FA] =	sst s26  }
0x13: {  	s15 =	sor.u32 $0x1C01, s31;
	s2 =	simm.s32 $0x0;
	[smem:$0x7FB] =	sst s1  }
.LBB2_1:
0x14: {  	s1 =	sld [smem:$0x7F8]  }
0x15: {  	[smem:$0x7F6] =	sst s2;
	s0 =	simm.s32 $0x0  }
0x16: {  	s29 =	simm.s32 $0x80;
	s3 =	simm.s32 $0x400;
	s30 =	simm.s32 $0x2  }
0x17: {  	[tilespmem:s0], [sflag:$0x2] =	stream.strided.gather [hbm4b:s1+s29], $0x200, s3, s29, $0x38;
	[tilespmem:$0x200] =	vst v63  }
0x18: {  	_ =	swait.ge [sflag:s30], $0x200  }
0x19: {  	[sflag:s30] =	ssyncset.done $0x0  }
0x1a: {  	[sflag:s30] =	ssyncadd.s32 $0xFFFFFE00  }
0x1b: {  	v0 =	vld [tilespmem:s0+$0x0];
	_ =	sdelay $0x4  }
0x1c: {  	v0 =	vshll.u32 v0, $0x4  }
0x1d: {  	(v2sf) =	vpush v0, $0x0  }
0x1e: {  	(v2sf) =	vpush v0, $0x1  }
0x1f: {  	(v2sf) =	vpush v0, $0xB  }
0x20: {  	s31 =	rddreg [dreg:$0x2];
	(v2sf) =	vpush v0, $0x9  }
0x21: {  	s18 =	sadd.s32 $0x0, s31;
	(v2sf) =	vpush v0, $0xC  }
0x22: {  	s19 =	simm.s32 $0x100;
	s20 =	simm.s32 $0x0;
	s26 =	sadd.s32 $0x10, s18;
	(v2sf) =	vpush v0, $0x4  }
.LBB2_2:
0x23: {  	(v2sf) =	vpush v0, $0x5;
	s4 =	rddreg [dreg:$0x6]  }
0x24: {  	s5 =	rddreg [dreg:$0x6];
	(v2sf) =	vpush v0, $0x6  }
0x25: {  	s0 =	sadd.s32 $0xC0, s18;
	s6 =	rddreg [dreg:$0x6];
	(v2sf) =	vpush v0, $0xD  }
0x26: {  	s21 =	sadd.s32 $0x70, s18;
	[dreg:$0xb] =	wrdreg s0;
	(v2sf) =	vpush v0, $0x3  }
0x27: {  	s22 =	smov.u32 s19;
	[dreg:$0x13] =	wrdreg s21  }
0x28: {  	s23 =	sadd.s32 $0x40, s18;
	[dreg:$0x7] =	wrdreg s22;
	(v2sf) =	vpush v0, $0x7  }
0x29: {  	s29 =	sadd.s32 $0x30, s18;
	s24 =	sadd.s32 $0xF0, s18;
	[dreg:$0x1b] =	wrdreg s23;
	(v2sf) =	vpush v0, $0x8  }
0x2a: {  	s30 =	sadd.s32 $0x20, s18;
	s25 =	sadd.s32 $0xB0, s18;
	[dreg:$0xf] =	wrdreg s24;
	(v2sf) =	vpush v0, $0xE  }
0x2b: {  	s31 =	sadd.s32 $0x80, s18;
	s8 =	sadd.s32 $0x60, s18;
	[dreg:$0x17] =	wrdreg s25;
	(v2sf) =	vpush v0, $0x2  }
0x2c: {  	s25 =	sadd.s32 $0xA0, s18;
	s24 =	sadd.s32 $0x90, s18;
	s2 =	spop (v2sf);
	(v2sf) =	vpush v0, $0xF  }
0x2d: {  	s22 =	rddreg [dreg:$0x6];
	s28 =	spop (v2sf);
	(v2sf) =	vpush v0, $0xA;
	s2 =	sand.u32 $0x1FFFFFF0, s2  }
0x2e: {  	s7 =	sand.u32 $0x1FFFFFF0, s28;
	s9 =	spop (v2sf);
	s11 =	sadd.s32 s17, s2  }
0x2f: {  	s28 =	rddreg [dreg:$0x6];
	s10 =	spop (v2sf);
	s0 =	sand.u32 $0x1FFFFFF0, s9  }
0x30: {  	s12 =	sadd.s32 s17, s7;
	s7 =	sadd.s32 s17, s0;
	s1 =	spop (v2sf)  }
0x31: {  	s10 =	sand.u32 $0x1FFFFFF0, s10;
	s9 =	sand.u32 $0x1FFFFFF0, s1;
	s13 =	spop (v2sf)  }
0x32: {  	s10 =	sadd.s32 s22, s10;
	s13 =	sand.u32 $0x1FFFFFF0, s13;
	s14 =	spop (v2sf)  }
0x33: {  	s9 =	sadd.s32 s17, s9;
	s14 =	sand.u32 $0x1FFFFFF0, s14;
	s16 =	spop (v2sf)  }
0x34: {  	s13 =	sadd.s32 s17, s13;
	s14 =	sadd.s32 s17, s14;
	s3 =	spop (v2sf)  }
0x35: {  	s16 =	sand.u32 $0x1FFFFFF0, s16;
	s17 =	sand.u32 $0x1FFFFFF0, s3;
	s3 =	spop (v2sf)  }
0x36: {  	s1 =	rddreg [dreg:$0x6];
	s16 =	sadd.s32 s4, s16;
	s3 =	sand.u32 $0x1FFFFFF0, s3  }
0x37: {  	s17 =	sadd.s32 s5, s17;
	s21 =	spop (v2sf);
	s3 =	sadd.s32 s6, s3  }
0x38: {  	s21 =	sand.u32 $0x1FFFFFF0, s21;
	s23 =	spop (v2sf);
	s6 =	rddreg [dreg:$0x6]  }
0x39: {  	s23 =	sand.u32 $0x1FFFFFF0, s23;
	s4 =	spop (v2sf);
	s21 =	sadd.s32 s28, s21  }
0x3a: {  	s28 =	rddreg [dreg:$0x6];
	s4 =	sand.u32 $0x1FFFFFF0, s4;
	s5 =	spop (v2sf)  }
0x3b: {  	s4 =	sadd.s32 s6, s4;
	s5 =	sand.u32 $0x1FFFFFF0, s5;
	s6 =	spop (v2sf)  }
0x3c: {  	s5 =	sadd.s32 s28, s5;
	s28 =	rddreg [dreg:$0x6];
	s22 =	spop (v2sf)  }
0x3d: {  	s6 =	sand.u32 $0x1FFFFFF0, s6;
	s0 =	sand.u32 $0x1FFFFFF0, s22;
	s22 =	rddreg [dreg:$0x6]  }
0x3e: {  	[hbm:s18], [sflag:s15] =	dma.local [hbm:s11], $0x10  }
0x3f: {  	[hbm:s26], [sflag:s15] =	dma.local [hbm:s12], $0x10  }
0x40: {  	[hbm:s30], [sflag:s15] =	dma.local [hbm:s5], $0x10  }
0x41: {  	[hbm:s29], [sflag:s15] =	dma.local [hbm:s3], $0x10  }
0x42: {  	s6 =	sadd.s32 s22, s6;
	s22 =	sadd.s32 $0x50, s18;
	s3 =	rddreg [dreg:$0x1b]  }
0x43: {  	[hbm:s3], [sflag:s15] =	dma.local [hbm:s13], $0x10  }
0x44: {  	[hbm:s22], [sflag:s15] =	dma.local [hbm:s14], $0x10  }
0x45: {  	[hbm:s8], [sflag:s15] =	dma.local [hbm:s16], $0x10  }
0x46: {  	s23 =	sadd.s32 s1, s23;
	s0 =	sadd.s32 s28, s0;
	s29 =	rddreg [dreg:$0x13]  }
0x47: {  	[hbm:s29], [sflag:s15] =	dma.local [hbm:s21], $0x10  }
0x48: {  	[hbm:s31], [sflag:s15] =	dma.local [hbm:s23], $0x10  }
0x49: {  	[hbm:s24], [sflag:s15] =	dma.local [hbm:s10], $0x10  }
0x4a: {  	[hbm:s25], [sflag:s15] =	dma.local [hbm:s0], $0x10  }
0x4b: {  	s0 =	rddreg [dreg:$0x17]  }
0x4c: {  	[hbm:s0], [sflag:s15] =	dma.local [hbm:s7], $0x10  }
0x4d: {  	s1 =	sadd.s32 $0xD0, s18;
	s0 =	rddreg [dreg:$0xb]  }
0x4e: {  	[hbm:s0], [sflag:s15] =	dma.local [hbm:s9], $0x10  }
0x4f: {  	[hbm:s1], [sflag:s15] =	dma.local [hbm:s17], $0x10  }
0x50: {  	s2 =	sadd.s32 $0xE0, s18;
	s17 =	rddreg [dreg:$0x6]  }
0x51: {  	[hbm:s2], [sflag:s15] =	dma.local [hbm:s4], $0x10  }
0x52: {  	s20 =	sadd.s32 $0x10, s20;
	s30 =	rddreg [dreg:$0xf]  }
0x53: {  	[hbm:s30], [sflag:s15] =	dma.local [hbm:s6], $0x10  }
0x54: {  	v0 =	vld [tilespmem:s20+$0x0];
	_ =	sdelay $0x4  }
0x55: {  	v0 =	vshll.u32 v0, $0x4  }
0x56: {  	p0 =	sne.s32 s19, $0x1F00;
	(v2sf) =	vpush v0, $0x0  }
.Ltmp0:
0x57: {  	(v2sf) =	vpush v0, $0x1;
	(pc) =	sbr.rel @p0 .LBB2_2-.Ltmp0, $4  }
0x58: {  	s0 =	rddreg [dreg:$0x2];
	(v2sf) =	vpush v0, $0xB  }
0x59: {  	s31 =	rddreg [dreg:$0x7];
	(v2sf) =	vpush v0, $0x9  }
0x5a: {  	s18 =	sadd.s32 s31, s0;
	(v2sf) =	vpush v0, $0xC  }
0x5b: {  	s19 =	sadd.s32 $0x100, s19;
	s26 =	sadd.s32 $0x10, s18;
	(v2sf) =	vpush v0, $0x4  }
0x5c: {  	(v2sf) =	vpush v0, $0x5  }
0x5d: {  	(v2sf) =	vpush v0, $0x6  }
0x5e: {  	(v2sf) =	vpush v0, $0xD  }
0x5f: {  	(v2sf) =	vpush v0, $0x3  }
0x60: {  	(v2sf) =	vpush v0, $0x7  }
0x61: {  	(v2sf) =	vpush v0, $0x8  }
0x62: {  	(v2sf) =	vpush v0, $0xE  }
0x63: {  	(v2sf) =	vpush v0, $0x2  }
0x64: {  	(v2sf) =	vpush v0, $0xF  }
0x65: {  	s0 =	spop (v2sf);
	(v2sf) =	vpush v0, $0xA  }
0x66: {  	s1 =	spop (v2sf)  }
0x67: {  	s2 =	spop (v2sf)  }
0x68: {  	s3 =	spop (v2sf)  }
0x69: {  	s4 =	spop (v2sf)  }
0x6a: {  	s5 =	spop (v2sf)  }
0x6b: {  	s6 =	spop (v2sf)  }
0x6c: {  	s7 =	spop (v2sf)  }
0x6d: {  	s8 =	spop (v2sf)  }
0x6e: {  	s9 =	spop (v2sf)  }
0x6f: {  	s10 =	spop (v2sf)  }
0x70: {  	s11 =	spop (v2sf)  }
0x71: {  	s19 =	sadd.s32 $0x20, s18;
	s12 =	spop (v2sf)  }
0x72: {  	s21 =	sadd.s32 $0x30, s18;
	s23 =	sadd.s32 $0x40, s18;
	s13 =	spop (v2sf)  }
0x73: {  	s25 =	sadd.s32 $0x50, s18;
	s0 =	sand.u32 $0x1FFFFFF0, s0;
	s14 =	spop (v2sf)  }
0x74: {  	s0 =	sadd.s32 s17, s0;
	s1 =	sand.u32 $0x1FFFFFF0, s1;
	s16 =	spop (v2sf)  }
0x75: {  	[hbm:s18], [sflag:s15] =	dma.local [hbm:s0], $0x10  }
0x76: {  	s29 =	sadd.s32 $0x60, s18;
	s13 =	sand.u32 $0x1FFFFFF0, s13;
	s0 =	sadd.s32 s17, s1  }
0x77: {  	[hbm:s26], [sflag:s15] =	dma.local [hbm:s0], $0x10  }
0x78: {  	s31 =	sadd.s32 $0x70, s18;
	s20 =	sand.u32 $0x1FFFFFF0, s9;
	s0 =	sadd.s32 s17, s13  }
0x79: {  	[hbm:s19], [sflag:s15] =	dma.local [hbm:s0], $0x10  }
0x7a: {  	s22 =	sand.u32 $0x1FFFFFF0, s5;
	s5 =	sadd.s32 $0x80, s18;
	s0 =	sadd.s32 s17, s20  }
0x7b: {  	[hbm:s21], [sflag:s15] =	dma.local [hbm:s0], $0x10  }
0x7c: {  	s24 =	sand.u32 $0x1FFFFFF0, s6;
	s6 =	sand.u32 $0x1FFFFFF0, s3;
	s0 =	sadd.s32 s17, s22  }
0x7d: {  	[hbm:s23], [sflag:s15] =	dma.local [hbm:s0], $0x10  }
0x7e: {  	s30 =	sand.u32 $0x1FFFFFF0, s10;
	s26 =	sand.u32 $0x1FFFFFF0, s7;
	s0 =	sadd.s32 s17, s24  }
0x7f: {  	[hbm:s25], [sflag:s15] =	dma.local [hbm:s0], $0x10  }
0x80: {  	s10 =	sadd.s32 $0xA0, s18;
	s1 =	sand.u32 $0x1FFFFFF0, s11;
	s0 =	sadd.s32 s17, s26  }
0x81: {  	[hbm:s29], [sflag:s15] =	dma.local [hbm:s0], $0x10  }
0x82: {  	s9 =	sand.u32 $0x1FFFFFF0, s16;
	s11 =	sand.u32 $0x1FFFFFF0, s2;
	s0 =	sadd.s32 s17, s30  }
0x83: {  	[hbm:s31], [sflag:s15] =	dma.local [hbm:s0], $0x10  }
0x84: {  	s16 =	sand.u32 $0x1FFFFFF0, s4;
	s7 =	sadd.s32 $0x90, s18;
	s0 =	sadd.s32 s17, s1  }
0x85: {  	[hbm:s5], [sflag:s15] =	dma.local [hbm:s0], $0x10  }
0x86: {  	s13 =	sadd.s32 $0xB0, s18;
	s19 =	sadd.s32 $0xC0, s18;
	s0 =	sadd.s32 s17, s6  }
0x87: {  	[hbm:s7], [sflag:s15] =	dma.local [hbm:s0], $0x10  }
0x88: {  	s20 =	sand.u32 $0x1FFFFFF0, s8;
	s21 =	sadd.s32 $0xD0, s18;
	s0 =	sadd.s32 s17, s9  }
0x89: {  	[hbm:s10], [sflag:s15] =	dma.local [hbm:s0], $0x10  }
0x8a: {  	s22 =	sadd.s32 $0xF0, s18;
	s23 =	sand.u32 $0x1FFFFFF0, s12;
	s0 =	sadd.s32 s17, s11  }
0x8b: {  	[hbm:s13], [sflag:s15] =	dma.local [hbm:s0], $0x10  }
0x8c: {  	s24 =	sand.u32 $0x1FFFFFF0, s14;
	s25 =	sadd.s32 $0xE0, s18;
	s0 =	sadd.s32 s17, s16  }
0x8d: {  	[hbm:s19], [sflag:s15] =	dma.local [hbm:s0], $0x10  }
0x8e: {  	s2 =	sadd.s32 s17, s24;
	s1 =	sadd.s32 s17, s23;
	s0 =	sadd.s32 s17, s20  }
0x8f: {  	[hbm:s21], [sflag:s15] =	dma.local [hbm:s0], $0x10  }
0x90: {  	[hbm:s25], [sflag:s15] =	dma.local [hbm:s1], $0x10  }
0x91: {  	[hbm:s22], [sflag:s15] =	dma.local [hbm:s2], $0x10  }
0x92: {  	s0 =	sld [smem:$0x7F9]  }
0x93: {  	s26 =	simm.s32 $0x80  }
0x94: {  	s29 =	simm.s32 $0x400;
	s30 =	simm.s32 $0x2;
	s19 =	simm.s32 $0x0  }
0x95: {  	[tilespmem:s19], [sflag:$0x2] =	stream.strided.gather [hbm4b:s0+s26], $0x200, s29, s26, $0x38;
	[tilespmem:$0x200] =	vst v63  }
0x96: {  	_ =	swait.ge [sflag:s30], $0x200  }
0x97: {  	[sflag:s30] =	ssyncset.done $0x0  }
0x98: {  	[sflag:s30] =	ssyncadd.s32 $0xFFFFFE00  }
0x99: {  	v0 =	vld [tilespmem:s19+$0x0];
	_ =	sdelay $0x4  }
0x9a: {  	v0 =	vshll.u32 v0, $0x4  }
0x9b: {  	(v2sf) =	vpush v0, $0x0  }
0x9c: {  	(v2sf) =	vpush v0, $0x1  }
0x9d: {  	(v2sf) =	vpush v0, $0xB  }
0x9e: {  	s31 =	rddreg [dreg:$0x3];
	(v2sf) =	vpush v0, $0x9  }
0x9f: {  	s18 =	sadd.s32 $0x0, s31;
	(v2sf) =	vpush v0, $0xC  }
0xa0: {  	s20 =	simm.s32 $0x100;
	s28 =	rddreg [dreg:$0x1f];
	s26 =	sadd.s32 $0x10, s18;
	(v2sf) =	vpush v0, $0x4  }
.LBB2_4:
0xa1: {  	_ = 	snop  }
0xa2: {  	(v2sf) =	vpush v0, $0x5  }
0xa3: {  	(v2sf) =	vpush v0, $0x6  }
0xa4: {  	(v2sf) =	vpush v0, $0xD  }
0xa5: {  	(v2sf) =	vpush v0, $0x3  }
0xa6: {  	(v2sf) =	vpush v0, $0x7  }
0xa7: {  	s0 =	sadd.s32 $0xC0, s18;
	s14 =	sadd.s32 $0x70, s18;
	s16 =	smov.u32 s20;
	(v2sf) =	vpush v0, $0x8  }
0xa8: {  	s29 =	sadd.s32 $0x30, s18;
	s17 =	sadd.s32 $0x40, s18;
	[dreg:$0xc] =	wrdreg s0;
	(v2sf) =	vpush v0, $0xE  }
0xa9: {  	s30 =	sadd.s32 $0x20, s18;
	s21 =	sadd.s32 $0xF0, s18;
	[dreg:$0x14] =	wrdreg s14;
	(v2sf) =	vpush v0, $0x2  }
0xaa: {  	s22 =	sadd.s32 $0xB0, s18;
	[dreg:$0x8] =	wrdreg s16;
	s2 =	spop (v2sf);
	(v2sf) =	vpush v0, $0xF  }
0xab: {  	s25 =	sadd.s32 $0x80, s18;
	[dreg:$0x1c] =	wrdreg s17;
	s23 =	spop (v2sf);
	(v2sf) =	vpush v0, $0xA  }
0xac: {  	s31 =	sadd.s32 $0xA0, s18;
	s3 =	sadd.s32 $0x90, s18;
	[dreg:$0x10] =	wrdreg s21  }
0xad: {  	s8 =	sadd.s32 $0x60, s18;
	[dreg:$0x18] =	wrdreg s22;
	s5 =	spop (v2sf)  }
0xae: {  	s2 =	sand.u32 $0x1FFFFFF0, s2;
	s4 =	sand.u32 $0x1FFFFFF0, s23;
	s6 =	spop (v2sf)  }
0xaf: {  	s11 =	sadd.s32 s28, s2;
	s2 =	sadd.s32 $0xE0, s18;
	s0 =	spop (v2sf)  }
0xb0: {  	s4 =	sadd.s32 s28, s4;
	s24 =	sand.u32 $0x1FFFFFF0, s5;
	s9 =	spop (v2sf)  }
0xb1: {  	s7 =	sadd.s32 s28, s24;
	s6 =	sand.u32 $0x1FFFFFF0, s6;
	s1 =	spop (v2sf)  }
0xb2: {  	s24 =	sadd.s32 $0x50, s18;
	s5 =	sand.u32 $0x1FFFFFF0, s0;
	s13 =	spop (v2sf)  }
0xb3: {  	s6 =	sadd.s32 s28, s6;
	s12 =	sand.u32 $0x1FFFFFF0, s9;
	s14 =	spop (v2sf)  }
0xb4: {  	s9 =	sadd.s32 s28, s5;
	s12 =	sadd.s32 s28, s12;
	s16 =	spop (v2sf)  }
0xb5: {  	s5 =	sand.u32 $0x1FFFFFF0, s1;
	s1 =	sadd.s32 $0xD0, s18;
	s17 =	spop (v2sf)  }
0xb6: {  	s5 =	sadd.s32 s28, s5;
	s13 =	sand.u32 $0x1FFFFFF0, s13;
	s21 =	spop (v2sf)  }
0xb7: {  	s13 =	sadd.s32 s28, s13;
	s16 =	sand.u32 $0x1FFFFFF0, s16;
	s23 =	spop (v2sf)  }
0xb8: {  	s14 =	sand.u32 $0x1FFFFFF0, s14;
	s16 =	sadd.s32 s28, s16;
	s10 =	spop (v2sf)  }
0xb9: {  	s17 =	sand.u32 $0x1FFFFFF0, s17;
	s0 =	sand.u32 $0x1FFFFFF0, s10;
	s22 =	spop (v2sf)  }
0xba: {  	s21 =	sand.u32 $0x1FFFFFF0, s21;
	s0 =	sadd.s32 s28, s0;
	s10 =	spop (v2sf)  }
0xbb: {  	[hbm:s18], [sflag:s15] =	dma.local [hbm:s11], $0x10  }
0xbc: {  	[hbm:s26], [sflag:s15] =	dma.local [hbm:s4], $0x10  }
0xbd: {  	[hbm:s30], [sflag:s15] =	dma.local [hbm:s0], $0x10  }
0xbe: {  	[hbm:s29], [sflag:s15] =	dma.local [hbm:s16], $0x10  }
0xbf: {  	s17 =	sadd.s32 s28, s17;
	s10 =	sand.u32 $0x1FFFFFF0, s10;
	s18 =	rddreg [dreg:$0x1c]  }
0xc0: {  	[hbm:s18], [sflag:s15] =	dma.local [hbm:s12], $0x10  }
0xc1: {  	[hbm:s24], [sflag:s15] =	dma.local [hbm:s5], $0x10  }
0xc2: {  	[hbm:s8], [sflag:s15] =	dma.local [hbm:s13], $0x10  }
0xc3: {  	s21 =	sadd.s32 s28, s21;
	s10 =	sadd.s32 s28, s10;
	s26 =	rddreg [dreg:$0x14]  }
0xc4: {  	[hbm:s26], [sflag:s15] =	dma.local [hbm:s17], $0x10  }
0xc5: {  	[hbm:s25], [sflag:s15] =	dma.local [hbm:s21], $0x10  }
0xc6: {  	[hbm:s3], [sflag:s15] =	dma.local [hbm:s6], $0x10  }
0xc7: {  	[hbm:s31], [sflag:s15] =	dma.local [hbm:s10], $0x10  }
0xc8: {  	s14 =	sadd.s32 s28, s14;
	s23 =	sand.u32 $0x1FFFFFF0, s23;
	s29 =	rddreg [dreg:$0x18]  }
0xc9: {  	[hbm:s29], [sflag:s15] =	dma.local [hbm:s7], $0x10  }
0xca: {  	s23 =	sadd.s32 s28, s23;
	s22 =	sand.u32 $0x1FFFFFF0, s22;
	s0 =	rddreg [dreg:$0xc]  }
0xcb: {  	[hbm:s0], [sflag:s15] =	dma.local [hbm:s9], $0x10  }
0xcc: {  	[hbm:s1], [sflag:s15] =	dma.local [hbm:s14], $0x10  }
0xcd: {  	[hbm:s2], [sflag:s15] =	dma.local [hbm:s23], $0x10  }
0xce: {  	s19 =	sadd.s32 $0x10, s19;
	s22 =	sadd.s32 s28, s22;
	s30 =	rddreg [dreg:$0x10]  }
0xcf: {  	[hbm:s30], [sflag:s15] =	dma.local [hbm:s22], $0x10  }
0xd0: {  	v0 =	vld [tilespmem:s19+$0x0];
	_ =	sdelay $0x4  }
0xd1: {  	v0 =	vshll.u32 v0, $0x4  }
0xd2: {  	p0 =	sne.s32 s20, $0x1F00;
	(v2sf) =	vpush v0, $0x0  }
.Ltmp1:
0xd3: {  	(v2sf) =	vpush v0, $0x1;
	(pc) =	sbr.rel @p0 .LBB2_4-.Ltmp1, $4  }
0xd4: {  	s0 =	rddreg [dreg:$0x3];
	(v2sf) =	vpush v0, $0xB  }
0xd5: {  	s31 =	rddreg [dreg:$0x8];
	(v2sf) =	vpush v0, $0x9  }
0xd6: {  	s18 =	sadd.s32 s31, s0;
	(v2sf) =	vpush v0, $0xC  }
0xd7: {  	s20 =	sadd.s32 $0x100, s20;
	s26 =	sadd.s32 $0x10, s18;
	(v2sf) =	vpush v0, $0x4  }
0xd8: {  	(v2sf) =	vpush v0, $0x5  }
0xd9: {  	(v2sf) =	vpush v0, $0x6  }
0xda: {  	(v2sf) =	vpush v0, $0xD  }
0xdb: {  	(v2sf) =	vpush v0, $0x3  }
0xdc: {  	(v2sf) =	vpush v0, $0x7  }
0xdd: {  	(v2sf) =	vpush v0, $0x8  }
0xde: {  	(v2sf) =	vpush v0, $0xE  }
0xdf: {  	(v2sf) =	vpush v0, $0x2  }
0xe0: {  	(v2sf) =	vpush v0, $0xF  }
0xe1: {  	s0 =	spop (v2sf);
	(v2sf) =	vpush v0, $0xA  }
0xe2: {  	s1 =	spop (v2sf)  }
0xe3: {  	s2 =	spop (v2sf)  }
0xe4: {  	s3 =	spop (v2sf)  }
0xe5: {  	s4 =	spop (v2sf)  }
0xe6: {  	s5 =	spop (v2sf)  }
0xe7: {  	s6 =	spop (v2sf)  }
0xe8: {  	s7 =	spop (v2sf)  }
0xe9: {  	s8 =	spop (v2sf)  }
0xea: {  	s9 =	spop (v2sf)  }
0xeb: {  	s10 =	spop (v2sf)  }
0xec: {  	s11 =	spop (v2sf)  }
0xed: {  	s19 =	sadd.s32 $0x20, s18;
	s12 =	spop (v2sf)  }
0xee: {  	s21 =	sadd.s32 $0x30, s18;
	s23 =	sadd.s32 $0x40, s18;
	s13 =	spop (v2sf)  }
0xef: {  	s25 =	sadd.s32 $0x50, s18;
	s0 =	sand.u32 $0x1FFFFFF0, s0;
	s14 =	spop (v2sf)  }
0xf0: {  	s0 =	sadd.s32 s28, s0;
	s1 =	sand.u32 $0x1FFFFFF0, s1;
	s16 =	spop (v2sf)  }
0xf1: {  	[hbm:s18], [sflag:s15] =	dma.local [hbm:s0], $0x10  }
0xf2: {  	s29 =	sadd.s32 $0x60, s18;
	s17 =	sand.u32 $0x1FFFFFF0, s13;
	s0 =	sadd.s32 s28, s1  }
0xf3: {  	[hbm:s26], [sflag:s15] =	dma.local [hbm:s0], $0x10  }
0xf4: {  	s31 =	sadd.s32 $0x70, s18;
	s20 =	sand.u32 $0x1FFFFFF0, s9;
	s0 =	sadd.s32 s28, s17  }
0xf5: {  	[hbm:s19], [sflag:s15] =	dma.local [hbm:s0], $0x10  }
0xf6: {  	s22 =	sand.u32 $0x1FFFFFF0, s5;
	s24 =	sand.u32 $0x1FFFFFF0, s6;
	s0 =	sadd.s32 s28, s20  }
0xf7: {  	[hbm:s21], [sflag:s15] =	dma.local [hbm:s0], $0x10  }
0xf8: {  	s6 =	sadd.s32 $0x80, s18;
	s9 =	sadd.s32 $0x90, s18;
	s0 =	sadd.s32 s28, s22  }
0xf9: {  	[hbm:s23], [sflag:s15] =	dma.local [hbm:s0], $0x10  }
0xfa: {  	s30 =	sand.u32 $0x1FFFFFF0, s10;
	s26 =	sand.u32 $0x1FFFFFF0, s7;
	s0 =	sadd.s32 s28, s24  }
0xfb: {  	[hbm:s25], [sflag:s15] =	dma.local [hbm:s0], $0x10  }
0xfc: {  	s5 =	sand.u32 $0x1FFFFFF0, s11;
	s11 =	sadd.s32 $0xA0, s18;
	s0 =	sadd.s32 s28, s26  }
0xfd: {  	[hbm:s29], [sflag:s15] =	dma.local [hbm:s0], $0x10  }
0xfe: {  	s13 =	sand.u32 $0x1FFFFFF0, s2;
	s10 =	sand.u32 $0x1FFFFFF0, s16;
	s0 =	sadd.s32 s28, s30  }
0xff: {  	[hbm:s31], [sflag:s15] =	dma.local [hbm:s0], $0x10  }
0x100: {  	s16 =	sadd.s32 $0xB0, s18;
	s7 =	sand.u32 $0x1FFFFFF0, s3;
	s0 =	sadd.s32 s28, s5  }
0x101: {  	[hbm:s6], [sflag:s15] =	dma.local [hbm:s0], $0x10  }
0x102: {  	s17 =	sand.u32 $0x1FFFFFF0, s4;
	s19 =	sadd.s32 $0xC0, s18;
	s0 =	sadd.s32 s28, s7  }
0x103: {  	[hbm:s9], [sflag:s15] =	dma.local [hbm:s0], $0x10  }
0x104: {  	s20 =	sand.u32 $0x1FFFFFF0, s8;
	s21 =	sadd.s32 $0xD0, s18;
	s0 =	sadd.s32 s28, s10  }
0x105: {  	[hbm:s11], [sflag:s15] =	dma.local [hbm:s0], $0x10  }
0x106: {  	s22 =	sadd.s32 $0xF0, s18;
	s23 =	sand.u32 $0x1FFFFFF0, s12;
	s0 =	sadd.s32 s28, s13  }
0x107: {  	[hbm:s16], [sflag:s15] =	dma.local [hbm:s0], $0x10  }
0x108: {  	s24 =	sand.u32 $0x1FFFFFF0, s14;
	s25 =	sadd.s32 $0xE0, s18;
	s0 =	sadd.s32 s28, s17  }
0x109: {  	[hbm:s19], [sflag:s15] =	dma.local [hbm:s0], $0x10  }
0x10a: {  	s1 =	sadd.s32 s28, s23;
	s2 =	sadd.s32 s28, s24;
	s0 =	sadd.s32 s28, s20  }
0x10b: {  	[hbm:s21], [sflag:s15] =	dma.local [hbm:s0], $0x10  }
0x10c: {  	[hbm:s25], [sflag:s15] =	dma.local [hbm:s1], $0x10  }
0x10d: {  	[hbm:s22], [sflag:s15] =	dma.local [hbm:s2], $0x10  }
0x10e: {  	s0 =	sld [smem:$0x7FA]  }
0x10f: {  	s26 =	simm.s32 $0x80  }
0x110: {  	s29 =	simm.s32 $0x400;
	s30 =	simm.s32 $0x2;
	s19 =	simm.s32 $0x0  }
0x111: {  	[tilespmem:s19], [sflag:$0x2] =	stream.strided.gather [hbm4b:s0+s26], $0x200, s29, s26, $0x38;
	[tilespmem:$0x200] =	vst v63  }
0x112: {  	_ =	swait.ge [sflag:s30], $0x200  }
0x113: {  	[sflag:s30] =	ssyncset.done $0x0  }
0x114: {  	[sflag:s30] =	ssyncadd.s32 $0xFFFFFE00  }
0x115: {  	v0 =	vld [tilespmem:s19+$0x0];
	_ =	sdelay $0x4  }
0x116: {  	v0 =	vshll.u32 v0, $0x4  }
0x117: {  	(v2sf) =	vpush v0, $0x0  }
0x118: {  	(v2sf) =	vpush v0, $0x1  }
0x119: {  	(v2sf) =	vpush v0, $0xB  }
0x11a: {  	s31 =	rddreg [dreg:$0x4];
	(v2sf) =	vpush v0, $0x9  }
0x11b: {  	s18 =	sadd.s32 $0x0, s31;
	(v2sf) =	vpush v0, $0xC  }
0x11c: {  	s20 =	simm.s32 $0x100;
	s28 =	sld [smem:$0x7F7];
	s26 =	sadd.s32 $0x10, s18;
	(v2sf) =	vpush v0, $0x4  }
.LBB2_6:
0x11d: {  	_ = 	snop  }
0x11e: {  	(v2sf) =	vpush v0, $0x5  }
0x11f: {  	(v2sf) =	vpush v0, $0x6  }
0x120: {  	(v2sf) =	vpush v0, $0xD  }
0x121: {  	(v2sf) =	vpush v0, $0x3  }
0x122: {  	(v2sf) =	vpush v0, $0x7  }
0x123: {  	s0 =	sadd.s32 $0xC0, s18;
	s14 =	sadd.s32 $0x70, s18;
	s16 =	smov.u32 s20;
	(v2sf) =	vpush v0, $0x8  }
0x124: {  	s29 =	sadd.s32 $0x30, s18;
	s17 =	sadd.s32 $0x40, s18;
	[dreg:$0xd] =	wrdreg s0;
	(v2sf) =	vpush v0, $0xE  }
0x125: {  	s30 =	sadd.s32 $0x20, s18;
	s21 =	sadd.s32 $0xF0, s18;
	[dreg:$0x15] =	wrdreg s14;
	(v2sf) =	vpush v0, $0x2  }
0x126: {  	s22 =	sadd.s32 $0xB0, s18;
	[dreg:$0x9] =	wrdreg s16;
	s2 =	spop (v2sf);
	(v2sf) =	vpush v0, $0xF  }
0x127: {  	s25 =	sadd.s32 $0x80, s18;
	[dreg:$0x1d] =	wrdreg s17;
	s23 =	spop (v2sf);
	(v2sf) =	vpush v0, $0xA  }
0x128: {  	s31 =	sadd.s32 $0xA0, s18;
	s3 =	sadd.s32 $0x90, s18;
	[dreg:$0x11] =	wrdreg s21  }
0x129: {  	s8 =	sadd.s32 $0x60, s18;
	[dreg:$0x19] =	wrdreg s22;
	s5 =	spop (v2sf)  }
0x12a: {  	s2 =	sand.u32 $0x1FFFFFF0, s2;
	s4 =	sand.u32 $0x1FFFFFF0, s23;
	s6 =	spop (v2sf)  }
0x12b: {  	s11 =	sadd.s32 s28, s2;
	s2 =	sadd.s32 $0xE0, s18;
	s0 =	spop (v2sf)  }
0x12c: {  	s4 =	sadd.s32 s28, s4;
	s24 =	sand.u32 $0x1FFFFFF0, s5;
	s9 =	spop (v2sf)  }
0x12d: {  	s7 =	sadd.s32 s28, s24;
	s6 =	sand.u32 $0x1FFFFFF0, s6;
	s1 =	spop (v2sf)  }
0x12e: {  	s24 =	sadd.s32 $0x50, s18;
	s5 =	sand.u32 $0x1FFFFFF0, s0;
	s13 =	spop (v2sf)  }
0x12f: {  	s6 =	sadd.s32 s28, s6;
	s12 =	sand.u32 $0x1FFFFFF0, s9;
	s14 =	spop (v2sf)  }
0x130: {  	s9 =	sadd.s32 s28, s5;
	s12 =	sadd.s32 s28, s12;
	s16 =	spop (v2sf)  }
0x131: {  	s5 =	sand.u32 $0x1FFFFFF0, s1;
	s1 =	sadd.s32 $0xD0, s18;
	s17 =	spop (v2sf)  }
0x132: {  	s5 =	sadd.s32 s28, s5;
	s13 =	sand.u32 $0x1FFFFFF0, s13;
	s21 =	spop (v2sf)  }
0x133: {  	s13 =	sadd.s32 s28, s13;
	s16 =	sand.u32 $0x1FFFFFF0, s16;
	s23 =	spop (v2sf)  }
0x134: {  	s14 =	sand.u32 $0x1FFFFFF0, s14;
	s16 =	sadd.s32 s28, s16;
	s10 =	spop (v2sf)  }
0x135: {  	s17 =	sand.u32 $0x1FFFFFF0, s17;
	s0 =	sand.u32 $0x1FFFFFF0, s10;
	s22 =	spop (v2sf)  }
0x136: {  	s21 =	sand.u32 $0x1FFFFFF0, s21;
	s0 =	sadd.s32 s28, s0;
	s10 =	spop (v2sf)  }
0x137: {  	[hbm:s18], [sflag:s15] =	dma.local [hbm:s11], $0x10  }
0x138: {  	[hbm:s26], [sflag:s15] =	dma.local [hbm:s4], $0x10  }
0x139: {  	[hbm:s30], [sflag:s15] =	dma.local [hbm:s0], $0x10  }
0x13a: {  	[hbm:s29], [sflag:s15] =	dma.local [hbm:s16], $0x10  }
0x13b: {  	s17 =	sadd.s32 s28, s17;
	s10 =	sand.u32 $0x1FFFFFF0, s10;
	s18 =	rddreg [dreg:$0x1d]  }
0x13c: {  	[hbm:s18], [sflag:s15] =	dma.local [hbm:s12], $0x10  }
0x13d: {  	[hbm:s24], [sflag:s15] =	dma.local [hbm:s5], $0x10  }
0x13e: {  	[hbm:s8], [sflag:s15] =	dma.local [hbm:s13], $0x10  }
0x13f: {  	s21 =	sadd.s32 s28, s21;
	s10 =	sadd.s32 s28, s10;
	s26 =	rddreg [dreg:$0x15]  }
0x140: {  	[hbm:s26], [sflag:s15] =	dma.local [hbm:s17], $0x10  }
0x141: {  	[hbm:s25], [sflag:s15] =	dma.local [hbm:s21], $0x10  }
0x142: {  	[hbm:s3], [sflag:s15] =	dma.local [hbm:s6], $0x10  }
0x143: {  	[hbm:s31], [sflag:s15] =	dma.local [hbm:s10], $0x10  }
0x144: {  	s14 =	sadd.s32 s28, s14;
	s23 =	sand.u32 $0x1FFFFFF0, s23;
	s29 =	rddreg [dreg:$0x19]  }
0x145: {  	[hbm:s29], [sflag:s15] =	dma.local [hbm:s7], $0x10  }
0x146: {  	s23 =	sadd.s32 s28, s23;
	s22 =	sand.u32 $0x1FFFFFF0, s22;
	s0 =	rddreg [dreg:$0xd]  }
0x147: {  	[hbm:s0], [sflag:s15] =	dma.local [hbm:s9], $0x10  }
0x148: {  	[hbm:s1], [sflag:s15] =	dma.local [hbm:s14], $0x10  }
0x149: {  	[hbm:s2], [sflag:s15] =	dma.local [hbm:s23], $0x10  }
0x14a: {  	s19 =	sadd.s32 $0x10, s19;
	s22 =	sadd.s32 s28, s22;
	s30 =	rddreg [dreg:$0x11]  }
0x14b: {  	[hbm:s30], [sflag:s15] =	dma.local [hbm:s22], $0x10  }
0x14c: {  	v0 =	vld [tilespmem:s19+$0x0];
	_ =	sdelay $0x4  }
0x14d: {  	v0 =	vshll.u32 v0, $0x4  }
0x14e: {  	p0 =	sne.s32 s20, $0x1F00;
	(v2sf) =	vpush v0, $0x0  }
.Ltmp2:
0x14f: {  	(v2sf) =	vpush v0, $0x1;
	(pc) =	sbr.rel @p0 .LBB2_6-.Ltmp2, $4  }
0x150: {  	s0 =	rddreg [dreg:$0x4];
	(v2sf) =	vpush v0, $0xB  }
0x151: {  	s31 =	rddreg [dreg:$0x9];
	(v2sf) =	vpush v0, $0x9  }
0x152: {  	s18 =	sadd.s32 s31, s0;
	(v2sf) =	vpush v0, $0xC  }
0x153: {  	s20 =	sadd.s32 $0x100, s20;
	s26 =	sadd.s32 $0x10, s18;
	(v2sf) =	vpush v0, $0x4  }
0x154: {  	(v2sf) =	vpush v0, $0x5  }
0x155: {  	(v2sf) =	vpush v0, $0x6  }
0x156: {  	(v2sf) =	vpush v0, $0xD  }
0x157: {  	(v2sf) =	vpush v0, $0x3  }
0x158: {  	(v2sf) =	vpush v0, $0x7  }
0x159: {  	(v2sf) =	vpush v0, $0x8  }
0x15a: {  	(v2sf) =	vpush v0, $0xE  }
0x15b: {  	(v2sf) =	vpush v0, $0x2  }
0x15c: {  	(v2sf) =	vpush v0, $0xF  }
0x15d: {  	s0 =	spop (v2sf);
	(v2sf) =	vpush v0, $0xA  }
0x15e: {  	s1 =	spop (v2sf)  }
0x15f: {  	s2 =	spop (v2sf)  }
0x160: {  	s3 =	spop (v2sf)  }
0x161: {  	s4 =	spop (v2sf)  }
0x162: {  	s5 =	spop (v2sf)  }
0x163: {  	s6 =	spop (v2sf)  }
0x164: {  	s7 =	spop (v2sf)  }
0x165: {  	s8 =	spop (v2sf)  }
0x166: {  	s9 =	spop (v2sf)  }
0x167: {  	s10 =	spop (v2sf)  }
0x168: {  	s11 =	spop (v2sf)  }
0x169: {  	s19 =	sadd.s32 $0x20, s18;
	s12 =	spop (v2sf)  }
0x16a: {  	s21 =	sadd.s32 $0x30, s18;
	s23 =	sadd.s32 $0x40, s18;
	s13 =	spop (v2sf)  }
0x16b: {  	s25 =	sadd.s32 $0x50, s18;
	s0 =	sand.u32 $0x1FFFFFF0, s0;
	s14 =	spop (v2sf)  }
0x16c: {  	s0 =	sadd.s32 s28, s0;
	s1 =	sand.u32 $0x1FFFFFF0, s1;
	s16 =	spop (v2sf)  }
0x16d: {  	[hbm:s18], [sflag:s15] =	dma.local [hbm:s0], $0x10  }
0x16e: {  	s29 =	sadd.s32 $0x60, s18;
	s17 =	sand.u32 $0x1FFFFFF0, s13;
	s0 =	sadd.s32 s28, s1  }
0x16f: {  	[hbm:s26], [sflag:s15] =	dma.local [hbm:s0], $0x10  }
0x170: {  	s31 =	sadd.s32 $0x70, s18;
	s20 =	sand.u32 $0x1FFFFFF0, s9;
	s0 =	sadd.s32 s28, s17  }
0x171: {  	[hbm:s19], [sflag:s15] =	dma.local [hbm:s0], $0x10  }
0x172: {  	s22 =	sand.u32 $0x1FFFFFF0, s5;
	s24 =	sand.u32 $0x1FFFFFF0, s6;
	s0 =	sadd.s32 s28, s20  }
0x173: {  	[hbm:s21], [sflag:s15] =	dma.local [hbm:s0], $0x10  }
0x174: {  	s6 =	sadd.s32 $0x80, s18;
	s9 =	sadd.s32 $0x90, s18;
	s0 =	sadd.s32 s28, s22  }
0x175: {  	[hbm:s23], [sflag:s15] =	dma.local [hbm:s0], $0x10  }
0x176: {  	s30 =	sand.u32 $0x1FFFFFF0, s10;
	s26 =	sand.u32 $0x1FFFFFF0, s7;
	s0 =	sadd.s32 s28, s24  }
0x177: {  	[hbm:s25], [sflag:s15] =	dma.local [hbm:s0], $0x10  }
0x178: {  	s5 =	sand.u32 $0x1FFFFFF0, s11;
	s11 =	sadd.s32 $0xA0, s18;
	s0 =	sadd.s32 s28, s26  }
0x179: {  	[hbm:s29], [sflag:s15] =	dma.local [hbm:s0], $0x10  }
0x17a: {  	s13 =	sand.u32 $0x1FFFFFF0, s2;
	s10 =	sand.u32 $0x1FFFFFF0, s16;
	s0 =	sadd.s32 s28, s30  }
0x17b: {  	[hbm:s31], [sflag:s15] =	dma.local [hbm:s0], $0x10  }
0x17c: {  	s16 =	sadd.s32 $0xB0, s18;
	s7 =	sand.u32 $0x1FFFFFF0, s3;
	s0 =	sadd.s32 s28, s5  }
0x17d: {  	[hbm:s6], [sflag:s15] =	dma.local [hbm:s0], $0x10  }
0x17e: {  	s17 =	sand.u32 $0x1FFFFFF0, s4;
	s19 =	sadd.s32 $0xC0, s18;
	s0 =	sadd.s32 s28, s7  }
0x17f: {  	[hbm:s9], [sflag:s15] =	dma.local [hbm:s0], $0x10  }
0x180: {  	s20 =	sand.u32 $0x1FFFFFF0, s8;
	s21 =	sadd.s32 $0xD0, s18;
	s0 =	sadd.s32 s28, s10  }
0x181: {  	[hbm:s11], [sflag:s15] =	dma.local [hbm:s0], $0x10  }
0x182: {  	s22 =	sadd.s32 $0xF0, s18;
	s23 =	sand.u32 $0x1FFFFFF0, s12;
	s0 =	sadd.s32 s28, s13  }
0x183: {  	[hbm:s16], [sflag:s15] =	dma.local [hbm:s0], $0x10  }
0x184: {  	s24 =	sand.u32 $0x1FFFFFF0, s14;
	s25 =	sadd.s32 $0xE0, s18;
	s0 =	sadd.s32 s28, s17  }
0x185: {  	[hbm:s19], [sflag:s15] =	dma.local [hbm:s0], $0x10  }
0x186: {  	s1 =	sadd.s32 s28, s23;
	s2 =	sadd.s32 s28, s24;
	s0 =	sadd.s32 s28, s20  }
0x187: {  	[hbm:s21], [sflag:s15] =	dma.local [hbm:s0], $0x10  }
0x188: {  	[hbm:s25], [sflag:s15] =	dma.local [hbm:s1], $0x10  }
0x189: {  	[hbm:s22], [sflag:s15] =	dma.local [hbm:s2], $0x10  }
0x18a: {  	s0 =	sld [smem:$0x7FB]  }
0x18b: {  	s26 =	simm.s32 $0x80  }
0x18c: {  	s29 =	simm.s32 $0x400;
	s30 =	simm.s32 $0x2;
	s19 =	simm.s32 $0x0  }
0x18d: {  	[tilespmem:s19], [sflag:$0x2] =	stream.strided.gather [hbm4b:s0+s26], $0x200, s29, s26, $0x38;
	[tilespmem:$0x200] =	vst v63  }
0x18e: {  	_ =	swait.ge [sflag:s30], $0x200  }
0x18f: {  	[sflag:s30] =	ssyncset.done $0x0  }
0x190: {  	[sflag:s30] =	ssyncadd.s32 $0xFFFFFE00  }
0x191: {  	v0 =	vld [tilespmem:s19+$0x0];
	_ =	sdelay $0x4  }
0x192: {  	v0 =	vshll.u32 v0, $0x4  }
0x193: {  	(v2sf) =	vpush v0, $0x0  }
0x194: {  	(v2sf) =	vpush v0, $0x1  }
0x195: {  	(v2sf) =	vpush v0, $0xB  }
0x196: {  	s31 =	rddreg [dreg:$0x5];
	(v2sf) =	vpush v0, $0x9  }
0x197: {  	s18 =	sadd.s32 $0x0, s31;
	(v2sf) =	vpush v0, $0xC  }
0x198: {  	s20 =	simm.s32 $0x100;
	s28 =	sld [smem:$0x7FD];
	s26 =	sadd.s32 $0x10, s18;
	(v2sf) =	vpush v0, $0x4  }
.LBB2_8:
0x199: {  	_ = 	snop  }
0x19a: {  	(v2sf) =	vpush v0, $0x5  }
0x19b: {  	(v2sf) =	vpush v0, $0x6  }
0x19c: {  	(v2sf) =	vpush v0, $0xD  }
0x19d: {  	(v2sf) =	vpush v0, $0x3  }
0x19e: {  	(v2sf) =	vpush v0, $0x7  }
0x19f: {  	s0 =	sadd.s32 $0xC0, s18;
	s14 =	sadd.s32 $0x70, s18;
	s16 =	smov.u32 s20;
	(v2sf) =	vpush v0, $0x8  }
0x1a0: {  	s29 =	sadd.s32 $0x30, s18;
	s17 =	sadd.s32 $0x40, s18;
	[dreg:$0xe] =	wrdreg s0;
	(v2sf) =	vpush v0, $0xE  }
0x1a1: {  	s30 =	sadd.s32 $0x20, s18;
	s21 =	sadd.s32 $0xF0, s18;
	[dreg:$0x16] =	wrdreg s14;
	(v2sf) =	vpush v0, $0x2  }
0x1a2: {  	s22 =	sadd.s32 $0xB0, s18;
	[dreg:$0xa] =	wrdreg s16;
	s2 =	spop (v2sf);
	(v2sf) =	vpush v0, $0xF  }
0x1a3: {  	s25 =	sadd.s32 $0x80, s18;
	[dreg:$0x1e] =	wrdreg s17;
	s23 =	spop (v2sf);
	(v2sf) =	vpush v0, $0xA  }
0x1a4: {  	s31 =	sadd.s32 $0xA0, s18;
	s3 =	sadd.s32 $0x90, s18;
	[dreg:$0x12] =	wrdreg s21  }
0x1a5: {  	s8 =	sadd.s32 $0x60, s18;
	[dreg:$0x1a] =	wrdreg s22;
	s5 =	spop (v2sf)  }
0x1a6: {  	s2 =	sand.u32 $0x1FFFFFF0, s2;
	s4 =	sand.u32 $0x1FFFFFF0, s23;
	s6 =	spop (v2sf)  }
0x1a7: {  	s11 =	sadd.s32 s28, s2;
	s2 =	sadd.s32 $0xE0, s18;
	s0 =	spop (v2sf)  }
0x1a8: {  	s4 =	sadd.s32 s28, s4;
	s24 =	sand.u32 $0x1FFFFFF0, s5;
	s9 =	spop (v2sf)  }
0x1a9: {  	s7 =	sadd.s32 s28, s24;
	s6 =	sand.u32 $0x1FFFFFF0, s6;
	s1 =	spop (v2sf)  }
0x1aa: {  	s24 =	sadd.s32 $0x50, s18;
	s5 =	sand.u32 $0x1FFFFFF0, s0;
	s13 =	spop (v2sf)  }
0x1ab: {  	s6 =	sadd.s32 s28, s6;
	s12 =	sand.u32 $0x1FFFFFF0, s9;
	s14 =	spop (v2sf)  }
0x1ac: {  	s9 =	sadd.s32 s28, s5;
	s12 =	sadd.s32 s28, s12;
	s16 =	spop (v2sf)  }
0x1ad: {  	s5 =	sand.u32 $0x1FFFFFF0, s1;
	s1 =	sadd.s32 $0xD0, s18;
	s17 =	spop (v2sf)  }
0x1ae: {  	s5 =	sadd.s32 s28, s5;
	s13 =	sand.u32 $0x1FFFFFF0, s13;
	s21 =	spop (v2sf)  }
0x1af: {  	s13 =	sadd.s32 s28, s13;
	s16 =	sand.u32 $0x1FFFFFF0, s16;
	s23 =	spop (v2sf)  }
0x1b0: {  	s14 =	sand.u32 $0x1FFFFFF0, s14;
	s16 =	sadd.s32 s28, s16;
	s10 =	spop (v2sf)  }
0x1b1: {  	s17 =	sand.u32 $0x1FFFFFF0, s17;
	s0 =	sand.u32 $0x1FFFFFF0, s10;
	s22 =	spop (v2sf)  }
0x1b2: {  	s21 =	sand.u32 $0x1FFFFFF0, s21;
	s0 =	sadd.s32 s28, s0;
	s10 =	spop (v2sf)  }
0x1b3: {  	[hbm:s18], [sflag:s15] =	dma.local [hbm:s11], $0x10  }
0x1b4: {  	[hbm:s26], [sflag:s15] =	dma.local [hbm:s4], $0x10  }
0x1b5: {  	[hbm:s30], [sflag:s15] =	dma.local [hbm:s0], $0x10  }
0x1b6: {  	[hbm:s29], [sflag:s15] =	dma.local [hbm:s16], $0x10  }
0x1b7: {  	s17 =	sadd.s32 s28, s17;
	s10 =	sand.u32 $0x1FFFFFF0, s10;
	s18 =	rddreg [dreg:$0x1e]  }
0x1b8: {  	[hbm:s18], [sflag:s15] =	dma.local [hbm:s12], $0x10  }
0x1b9: {  	[hbm:s24], [sflag:s15] =	dma.local [hbm:s5], $0x10  }
0x1ba: {  	[hbm:s8], [sflag:s15] =	dma.local [hbm:s13], $0x10  }
0x1bb: {  	s21 =	sadd.s32 s28, s21;
	s10 =	sadd.s32 s28, s10;
	s26 =	rddreg [dreg:$0x16]  }
0x1bc: {  	[hbm:s26], [sflag:s15] =	dma.local [hbm:s17], $0x10  }
0x1bd: {  	[hbm:s25], [sflag:s15] =	dma.local [hbm:s21], $0x10  }
0x1be: {  	[hbm:s3], [sflag:s15] =	dma.local [hbm:s6], $0x10  }
0x1bf: {  	[hbm:s31], [sflag:s15] =	dma.local [hbm:s10], $0x10  }
0x1c0: {  	s14 =	sadd.s32 s28, s14;
	s23 =	sand.u32 $0x1FFFFFF0, s23;
	s29 =	rddreg [dreg:$0x1a]  }
0x1c1: {  	[hbm:s29], [sflag:s15] =	dma.local [hbm:s7], $0x10  }
0x1c2: {  	s23 =	sadd.s32 s28, s23;
	s22 =	sand.u32 $0x1FFFFFF0, s22;
	s0 =	rddreg [dreg:$0xe]  }
0x1c3: {  	[hbm:s0], [sflag:s15] =	dma.local [hbm:s9], $0x10  }
0x1c4: {  	[hbm:s1], [sflag:s15] =	dma.local [hbm:s14], $0x10  }
0x1c5: {  	[hbm:s2], [sflag:s15] =	dma.local [hbm:s23], $0x10  }
0x1c6: {  	s19 =	sadd.s32 $0x10, s19;
	s22 =	sadd.s32 s28, s22;
	s30 =	rddreg [dreg:$0x12]  }
0x1c7: {  	[hbm:s30], [sflag:s15] =	dma.local [hbm:s22], $0x10  }
0x1c8: {  	v0 =	vld [tilespmem:s19+$0x0];
	_ =	sdelay $0x4  }
0x1c9: {  	v0 =	vshll.u32 v0, $0x4  }
0x1ca: {  	p0 =	sne.s32 s20, $0x1F00;
	(v2sf) =	vpush v0, $0x0  }
.Ltmp3:
0x1cb: {  	(v2sf) =	vpush v0, $0x1;
	(pc) =	sbr.rel @p0 .LBB2_8-.Ltmp3, $4  }
0x1cc: {  	s0 =	rddreg [dreg:$0x5];
	(v2sf) =	vpush v0, $0xB  }
0x1cd: {  	s31 =	rddreg [dreg:$0xa];
	(v2sf) =	vpush v0, $0x9  }
0x1ce: {  	s18 =	sadd.s32 s31, s0;
	(v2sf) =	vpush v0, $0xC  }
0x1cf: {  	s20 =	sadd.s32 $0x100, s20;
	s26 =	sadd.s32 $0x10, s18;
	(v2sf) =	vpush v0, $0x4  }
0x1d0: {  	(v2sf) =	vpush v0, $0x5  }
0x1d1: {  	(v2sf) =	vpush v0, $0x6  }
0x1d2: {  	(v2sf) =	vpush v0, $0xD  }
0x1d3: {  	(v2sf) =	vpush v0, $0x3  }
0x1d4: {  	(v2sf) =	vpush v0, $0x7  }
0x1d5: {  	(v2sf) =	vpush v0, $0x8  }
0x1d6: {  	(v2sf) =	vpush v0, $0xE  }
0x1d7: {  	(v2sf) =	vpush v0, $0x2  }
0x1d8: {  	(v2sf) =	vpush v0, $0xF  }
0x1d9: {  	s0 =	spop (v2sf);
	(v2sf) =	vpush v0, $0xA  }
0x1da: {  	s1 =	spop (v2sf)  }
0x1db: {  	s2 =	spop (v2sf)  }
0x1dc: {  	s3 =	spop (v2sf)  }
0x1dd: {  	s4 =	spop (v2sf)  }
0x1de: {  	s5 =	spop (v2sf)  }
0x1df: {  	s6 =	spop (v2sf)  }
0x1e0: {  	s7 =	spop (v2sf)  }
0x1e1: {  	s8 =	spop (v2sf)  }
0x1e2: {  	s9 =	spop (v2sf)  }
0x1e3: {  	s10 =	spop (v2sf)  }
0x1e4: {  	s11 =	spop (v2sf)  }
0x1e5: {  	s12 =	spop (v2sf)  }
0x1e6: {  	s13 =	spop (v2sf)  }
0x1e7: {  	s0 =	sand.u32 $0x1FFFFFF0, s0;
	s14 =	spop (v2sf)  }
0x1e8: {  	s0 =	sadd.s32 s28, s0;
	s19 =	sand.u32 $0x1FFFFFF0, s1;
	s16 =	spop (v2sf)  }
0x1e9: {  	[hbm:s18], [sflag:s15] =	dma.local [hbm:s0], $0x10  }
0x1ea: {  	s20 =	sand.u32 $0x1FFFFFF0, s13;
	s0 =	sadd.s32 s28, s19  }
0x1eb: {  	[hbm:s26], [sflag:s15] =	dma.local [hbm:s0], $0x10  }
0x1ec: {  	s21 =	sadd.s32 $0x20, s18;
	s22 =	sand.u32 $0x1FFFFFF0, s9;
	s0 =	sadd.s32 s28, s20  }
0x1ed: {  	[hbm:s21], [sflag:s15] =	dma.local [hbm:s0], $0x10  }
0x1ee: {  	s23 =	sadd.s32 $0x30, s18;
	s24 =	sand.u32 $0x1FFFFFF0, s5;
	s0 =	sadd.s32 s28, s22  }
0x1ef: {  	[hbm:s23], [sflag:s15] =	dma.local [hbm:s0], $0x10  }
0x1f0: {  	s25 =	sadd.s32 $0x40, s18;
	s26 =	sand.u32 $0x1FFFFFF0, s6;
	s0 =	sadd.s32 s28, s24  }
0x1f1: {  	[hbm:s25], [sflag:s15] =	dma.local [hbm:s0], $0x10  }
0x1f2: {  	s29 =	sadd.s32 $0x50, s18;
	s30 =	sand.u32 $0x1FFFFFF0, s7;
	s0 =	sadd.s32 s28, s26  }
0x1f3: {  	[hbm:s29], [sflag:s15] =	dma.local [hbm:s0], $0x10  }
0x1f4: {  	s31 =	sadd.s32 $0x60, s18;
	s1 =	sand.u32 $0x1FFFFFF0, s10;
	s0 =	sadd.s32 s28, s30  }
0x1f5: {  	[hbm:s31], [sflag:s15] =	dma.local [hbm:s0], $0x10  }
0x1f6: {  	s5 =	sadd.s32 $0x70, s18;
	s6 =	sand.u32 $0x1FFFFFF0, s11;
	s0 =	sadd.s32 s28, s1  }
0x1f7: {  	[hbm:s5], [sflag:s15] =	dma.local [hbm:s0], $0x10  }
0x1f8: {  	s7 =	sadd.s32 $0x80, s18;
	s9 =	sand.u32 $0x1FFFFFF0, s3;
	s0 =	sadd.s32 s28, s6  }
0x1f9: {  	[hbm:s7], [sflag:s15] =	dma.local [hbm:s0], $0x10  }
0x1fa: {  	s10 =	sadd.s32 $0x90, s18;
	s11 =	sand.u32 $0x1FFFFFF0, s16;
	s0 =	sadd.s32 s28, s9  }
0x1fb: {  	[hbm:s10], [sflag:s15] =	dma.local [hbm:s0], $0x10  }
0x1fc: {  	s13 =	sadd.s32 $0xA0, s18;
	s16 =	sand.u32 $0x1FFFFFF0, s2;
	s0 =	sadd.s32 s28, s11  }
0x1fd: {  	[hbm:s13], [sflag:s15] =	dma.local [hbm:s0], $0x10  }
0x1fe: {  	s17 =	sadd.s32 $0xB0, s18;
	s19 =	sand.u32 $0x1FFFFFF0, s4;
	s0 =	sadd.s32 s28, s16  }
0x1ff: {  	[hbm:s17], [sflag:s15] =	dma.local [hbm:s0], $0x10  }
0x200: {  	s20 =	sadd.s32 $0xC0, s18;
	s21 =	sand.u32 $0x1FFFFFF0, s8;
	s0 =	sadd.s32 s28, s19  }
0x201: {  	[hbm:s20], [sflag:s15] =	dma.local [hbm:s0], $0x10  }
0x202: {  	s22 =	sadd.s32 $0xD0, s18;
	s23 =	sand.u32 $0x1FFFFFF0, s12;
	s0 =	sadd.s32 s28, s21  }
0x203: {  	[hbm:s22], [sflag:s15] =	dma.local [hbm:s0], $0x10  }
0x204: {  	s24 =	sadd.s32 $0xE0, s18;
	s25 =	sand.u32 $0x1FFFFFF0, s14;
	s0 =	sadd.s32 s28, s23  }
0x205: {  	[hbm:s24], [sflag:s15] =	dma.local [hbm:s0], $0x10  }
0x206: {  	s26 =	sadd.s32 $0xF0, s18;
	s29 =	simm.s32 $0x1;
	s0 =	sadd.s32 s28, s25  }
0x207: {  	[hbm:s26], [sflag:s15] =	dma.local [hbm:s0], $0x10  }
0x208: {  	_ =	swait.ge [sflag:s29], $0x2000  }
0x209: {  	[sflag:s29] =	ssyncset.done $0x0  }
0x20a: {  	[sflag:s29] =	ssyncadd.s32 $0xFFFFE000  }
0x20b: {  	_ =	swait.ge [sflag:s29], $0x2000  }
0x20c: {  	[sflag:s29] =	ssyncset.done $0x0  }
0x20d: {  	[sflag:s29] =	ssyncadd.s32 $0xFFFFE000  }
0x20e: {  	_ =	swait.ge [sflag:s29], $0x2000  }
0x20f: {  	[sflag:s29] =	ssyncset.done $0x0  }
0x210: {  	[sflag:s29] =	ssyncadd.s32 $0xFFFFE000  }
0x211: {  	_ =	swait.ge [sflag:s29], $0x2000  }
0x212: {  	s30 =	sld [smem:$0x7F6]  }
0x213: {  	s31 =	sld [smem:$0x7FC];
	_ =	sdelay $0x1  }
0x214: {  	s2 =	sadd.s32 $0x1, s30  }
0x215: {  	p0 =	sne.s32 s2, s31  }
.Ltmp4:
0x216: {  	_ = 	snop;
	(pc) =	sbr.rel @p0 .LBB2_1-.Ltmp4, $3  }
0x217: {  	_ =	sdelay $0x1  }
0x218: {  	[sflag:s29] =	ssyncset.done $0x0  }
0x219: {  	s17 =	rddreg [dreg:$0x6];
	[sflag:s29] =	ssyncadd.s32 $0xFFFFE000  }
0x21a: {  	_ =	sfence.sel $0x180000  }
0x21b: {  	[bflag:$0x0] =	sbarrier.arrive $0xFFFF  }
0x21c: {  	_ =	strace $0x90000047  }
0x21d: {  	s0 =	stileid.u32;
	[bflag:$0x2] =	sbarrier.arrive $0xFFFF  }
0x21e: {  	p0 =	sne.s32 s0, $0x0;
	s0 =	rddreg [dreg:$0x1]  }
0x21f: {  	s0 =	sadd.s32 @!p0 $0x100000, s0  }
0x220: {  	[sflag:s0] =	ssyncadd.tile.s32 @!p0 $0x1;
	_ =	shalt  }
.Lfunc_end2:
_tile_overlayer_lowered:
.L_overlay_start_2:
0x221: {  	(tag) =	ssettag $0x2  }
0x222: {  	s0 =	rddreg [dreg:$0x0];
	s2 =	stileid.u32  }
0x223: {  	s1 =	rddreg [dreg:$0x1];
	p0 =	sne.s32 s2, $0x0  }
0x224: {  	s3 =	rddreg [dreg:$0x2];
	[bflag:$0x3] =	sbarrier.arrive $0xFFFF;
	s2 =	simm.s32 @!p0 $0x1C02  }
0x225: {  	[timem:s3], [sflag:s2] =	dma.local @!p0 [hbm:s0], s1  }
0x226: {  	s0 =	simm.s32 @!p0 $0x2  }
0x227: {  	_ =	swait.ge @!p0 [sflag:s0], s1  }
0x228: {  	s1 =	ssub.s32 @!p0 $0x0, s1;
	[sflag:s0] =	ssyncset.done @!p0 $0x0  }
0x229: {  	[sflag:s0] =	ssyncadd.s32 @!p0 s1  }
0x22a: {  	[bflag:$0x3] =	sbarrier.arrive $0xFFFF  }
0x22b: {  	_ =	shalt  }

</sc_bundles>
